<compile_context>
chip_gen: v7x
topology: tpu7x:2x2x1
jax: 0.10.2.dev20260603
libtpu: 0.0.44.dev20260713+nightly
codegen_flags: <defaults>
</compile_context>

<pallas_src>
import functools

import jax
import jax.numpy as jnp
from jax import lax
from jax.experimental import pallas as pl
from jax.experimental.pallas import tpu as pltpu
from jax.experimental.pallas import tpu_sc as plsc

EMBED = 64
SCALE = 8.0
NW = 32
NB = 4
LANES = 16
BLK = 128


@functools.lru_cache(maxsize=None)
def _build(n_rows: int, n_cols: int):
    assert n_rows == NW * BLK
    mesh = plsc.VectorSubcoreMesh(core_axis_name="c", subcore_axis_name="s")

    @functools.partial(
        pl.kernel,
        mesh=mesh,
        compiler_params=pltpu.CompilerParams(
            use_tc_tiling_on_sc=False, needs_layout_passes=False),
        out_type=jax.ShapeDtypeStruct(
            (n_cols, EMBED // 8, n_rows // 128, 8, 128), jnp.float32),
        scratch_types=(
            [pltpu.VMEM((n_cols, BLK), jnp.int32)]
            + [pltpu.VMEM((BLK, EMBED), jnp.float32) for _ in range(NB)]
            + [pltpu.VMEM((EMBED // 8, 8, 129), jnp.float32) for _ in range(NB)]
            + [pltpu.SemaphoreType.DMA for _ in range(2 * NB)]
        ),
    )
    def emb_kernel(table_hbm, idxt_hbm, out_hbm, idx_v, *rest):
        rows_in = rest[0:NB]
        slabs = rest[NB:2 * NB]
        gsem = rest[2 * NB:3 * NB]
        osem = rest[3 * NB:4 * NB]

        wid = lax.axis_index("s") * 2 + lax.axis_index("c")

        pltpu.sync_copy(idxt_hbm.at[:, pl.ds(wid * BLK, BLK)], idx_v)

        iota = lax.iota(jnp.int32, LANES)
        kt_pats = [iota // 8 + 2 * c for c in range(EMBED // LANES)]
        ks_pat = iota % 8

        for b in range(NB):
            pltpu.async_copy(table_hbm.at[idx_v.at[b]], rows_in[b], gsem[b])

        def outer(g, carry):
            for b in range(NB):
                j = g * NB + b
                pltpu.make_async_copy(
                    table_hbm.at[idx_v.at[j]], rows_in[b], gsem[b]).wait()

                @pl.when(j >= NB)
                def _():
                    pltpu.make_async_copy(
                        slabs[b].at[:, :, pl.ds(0, 128)],
                        out_hbm.at[j - NB, :, wid], osem[b]).wait()

                @plsc.parallel_loop(0, BLK, unroll=4)
                def token(i):
                    il = jnp.full((LANES,), i, jnp.int32)
                    for c in range(EMBED // LANES):
                        v = rows_in[b][i, pl.ds(c * LANES, LANES)] * SCALE
                        plsc.store_scatter(
                            slabs[b], [kt_pats[c], ks_pat, il], v)

                @pl.when(j + NB < n_cols)
                def _():
                    pltpu.async_copy(
                        table_hbm.at[idx_v.at[j + NB]], rows_in[b], gsem[b])

                pltpu.async_copy(
                    slabs[b].at[:, :, pl.ds(0, 128)],
                    out_hbm.at[j, :, wid], osem[b])
            return carry

        lax.fori_loop(0, n_cols // NB, outer, 0)

        for b in range(NB):
            pltpu.make_async_copy(
                slabs[b].at[:, :, pl.ds(0, 128)],
                out_hbm.at[n_cols - NB + b, :, wid], osem[b]).wait()

    return emb_kernel


@jax.jit
def kernel(x, table):
    n_rows, n_cols = x.shape
    xt = x.astype(jnp.int32).T
    out_lin = _build(n_rows, n_cols)(table, xt)
    out = out_lin.transpose(2, 4, 0, 1, 3).reshape(n_rows, n_cols, EMBED)
    return out

# --- scband reference (transcript-rebuilt; emitter-appended) ---
"""Pipeline reference for scband-token-embedding-66065186947421 (READ-ONLY COPY).

The authoritative reference and input builder live on the scoring server;
editing this copy changes nothing except your own understanding.
"""

import jax, jax.numpy as jnp
import numpy as np

VOCAB = 1000000
EMBED = 64

def setup_inputs(seed: int = 0) -> dict:
    key = jax.random.key(seed)
    k1, k2 = jax.random.split(key)
    x = jax.random.randint(k1, (4096, 200), 0, VOCAB, dtype=jnp.int64 if jax.config.jax_enable_x64 else jnp.int32)
    table = jax.random.normal(k2, (VOCAB, EMBED), dtype=jnp.float32)
    return {"x": x, "table": table}

def reference(x, table):
    # Embedding lookup scaled by sqrt(embed_size), matching TokenEmbedding.forward
    emb = jnp.take(table, x, axis=0)
    scale = jnp.sqrt(jnp.asarray(EMBED, dtype=jnp.float32))
    return emb * scale

if __name__ == "__main__":
    import jax
    _d = setup_inputs()
    print(jax.jit(kernel)(*tuple(_d.values())))

</pallas_src>

<mosaic_0001>
#map = affine_map<(d0, d1) -> (0, 0)>
#map1 = affine_map<(d0, d1) -> (0, 0, 0, 0, 0)>
module attributes {stable_mosaic.version = 14 : i64} {
  func.func @emb_kernel(%arg0: i32, %arg1: i32, %arg2: memref<1000000x64xf32, #tpu.memory_space<hbm>>, %arg3: memref<200x4096xi32, #tpu.memory_space<hbm>>, %arg4: memref<200x8x32x8x128xf32, #tpu.memory_space<hbm>>, %arg5: memref<200x128xi32, #tpu.memory_space<vmem>>, %arg6: memref<128x64xf32, #tpu.memory_space<vmem>>, %arg7: memref<128x64xf32, #tpu.memory_space<vmem>>, %arg8: memref<128x64xf32, #tpu.memory_space<vmem>>, %arg9: memref<128x64xf32, #tpu.memory_space<vmem>>, %arg10: memref<8x8x129xf32, #tpu.memory_space<vmem>>, %arg11: memref<8x8x129xf32, #tpu.memory_space<vmem>>, %arg12: memref<8x8x129xf32, #tpu.memory_space<vmem>>, %arg13: memref<8x8x129xf32, #tpu.memory_space<vmem>>, %arg14: memref<!tpu.dma_semaphore, #tpu.memory_space<semaphore_mem>>, %arg15: memref<!tpu.dma_semaphore, #tpu.memory_space<semaphore_mem>>, %arg16: memref<!tpu.dma_semaphore, #tpu.memory_space<semaphore_mem>>, %arg17: memref<!tpu.dma_semaphore, #tpu.memory_space<semaphore_mem>>, %arg18: memref<!tpu.dma_semaphore, #tpu.memory_space<semaphore_mem>>, %arg19: memref<!tpu.dma_semaphore, #tpu.memory_space<semaphore_mem>>, %arg20: memref<!tpu.dma_semaphore, #tpu.memory_space<semaphore_mem>>, %arg21: memref<!tpu.dma_semaphore, #tpu.memory_space<semaphore_mem>>) attributes {dimension_semantics = [#tpu.dimension_semantics<core_parallel>, #tpu.dimension_semantics<subcore_parallel>], iteration_bounds = array<i64: 2, 16>, scalar_prefetch = 0 : i64, scratch_operands = 17 : i64, tpu.core_type = #tpu.core_type<sc_vector_subcore>, window_params = [{transform_indices = #map}, {transform_indices = #map}, {transform_indices = #map1}]} {
    %mul3A = arith.constant 2 : i32
    %mul3A_0 = arith.muli %arg1, %mul3A : i32
    %add3A = arith.addi %mul3A_0, %arg0 : i32
    %mul3A_1 = arith.constant 128 : i32
    %mul3A_2 = arith.muli %add3A, %mul3A_1 : i32
    "tpu.region"() ({
      %run_scoped3A = tpu.sem_alloc : memref<!tpu.dma_semaphore, #tpu.memory_space<semaphore_mem>>
      %dma_start3A_258 = arith.constant 0 : i32
      %dma_start3A_259 = tpu.memref_slice %arg3[%dma_start3A_258, %mul3A_2] : memref<200x4096xi32, #tpu.memory_space<hbm>> -> memref<200x128xi32, #tpu.memory_space<hbm>>
      %dma_start3A_260 = arith.constant 0 : i32
      %dma_start3A_261 = tpu.memref_slice %arg3[%dma_start3A_260, %mul3A_2] : memref<200x4096xi32, #tpu.memory_space<hbm>> -> memref<200x128xi32, #tpu.memory_space<hbm>>
      tpu.enqueue_dma source(%dma_start3A_261 : memref<200x128xi32, #tpu.memory_space<hbm>>) target(%arg5 : memref<200x128xi32, #tpu.memory_space<vmem>>) target_semaphore(%run_scoped3A : memref<!tpu.dma_semaphore, #tpu.memory_space<semaphore_mem>>)
      %dma_wait3A_262 = arith.constant 0 : i32
      %dma_wait3A_263 = tpu.memref_slice %arg3[%dma_wait3A_262, %mul3A_2] : memref<200x4096xi32, #tpu.memory_space<hbm>> -> memref<200x128xi32, #tpu.memory_space<hbm>>
      %dma_wait3A_264 = arith.constant 0 : i32
      %dma_wait3A_265 = tpu.memref_slice %arg3[%dma_wait3A_264, %mul3A_2] : memref<200x4096xi32, #tpu.memory_space<hbm>> -> memref<200x128xi32, #tpu.memory_space<hbm>>
      tpu.wait_dma2 semaphore(%run_scoped3A : memref<!tpu.dma_semaphore, #tpu.memory_space<semaphore_mem>>) src(%dma_wait3A_265 : memref<200x128xi32, #tpu.memory_space<hbm>>) dst(%arg5 : memref<200x128xi32, #tpu.memory_space<vmem>>)
      tpu.yield
    }) : () -> ()
    %iota3A = tpu.iota {dimensions = array<i32: 0>} : vector<16xi32>
    %jit3A = arith.constant 8 : i32
    %div3A = vector.broadcast %jit3A : i32 to vector<16xi32>
    %div3A_3 = arith.divsi %iota3A, %div3A : vector<16xi32>
    %sign3A = arith.constant 0 : i32
    %sign3A_4 = vector.broadcast %sign3A : i32 to vector<16xi32>
    %sign3A_5 = arith.cmpi sgt, %iota3A, %sign3A_4 : vector<16xi32>
    %sign3A_6 = arith.extui %sign3A_5 : vector<16xi1> to vector<16xi32>
    %sign3A_7 = arith.constant 0 : i32
    %sign3A_8 = vector.broadcast %sign3A_7 : i32 to vector<16xi32>
    %sign3A_9 = arith.cmpi slt, %iota3A, %sign3A_8 : vector<16xi32>
    %sign3A_10 = arith.extui %sign3A_9 : vector<16xi1> to vector<16xi32>
    %sign3A_11 = arith.subi %sign3A_6, %sign3A_10 : vector<16xi32>
    %sign3A_12 = arith.constant 0 : i32
    %sign3A_13 = arith.cmpi sgt, %jit3A, %sign3A_12 : i32
    %sign3A_14 = arith.extui %sign3A_13 : i1 to i32
    %sign3A_15 = arith.constant 0 : i32
    %sign3A_16 = arith.cmpi slt, %jit3A, %sign3A_15 : i32
    %sign3A_17 = arith.extui %sign3A_16 : i1 to i32
    %sign3A_18 = arith.subi %sign3A_14, %sign3A_17 : i32
    %ne3A = vector.broadcast %sign3A_18 : i32 to vector<16xi32>
    %ne3A_19 = arith.cmpi ne, %sign3A_11, %ne3A : vector<16xi32>
    %rem3A = vector.broadcast %jit3A : i32 to vector<16xi32>
    %rem3A_20 = arith.remsi %iota3A, %rem3A : vector<16xi32>
    %ne3A_21 = arith.constant 0 : i32
    %ne3A_22 = vector.broadcast %ne3A_21 : i32 to vector<16xi32>
    %ne3A_23 = arith.cmpi ne, %rem3A_20, %ne3A_22 : vector<16xi32>
    %and3A = arith.andi %ne3A_19, %ne3A_23 : vector<16xi1>
    %sub3A = arith.constant 1 : i32
    %sub3A_24 = vector.broadcast %sub3A : i32 to vector<16xi32>
    %sub3A_25 = arith.subi %div3A_3, %sub3A_24 : vector<16xi32>
    %select_n3A = arith.select %and3A, %sub3A_25, %div3A_3 : vector<16xi1>, vector<16xi32>
    %add3A_26 = arith.constant 0 : i32
    %add3A_27 = vector.broadcast %add3A_26 : i32 to vector<16xi32>
    %add3A_28 = arith.addi %select_n3A, %add3A_27 : vector<16xi32>
    %jit3A_29 = arith.constant 8 : i32
    %div3A_30 = vector.broadcast %jit3A_29 : i32 to vector<16xi32>
    %div3A_31 = arith.divsi %iota3A, %div3A_30 : vector<16xi32>
    %sign3A_32 = arith.constant 0 : i32
    %sign3A_33 = vector.broadcast %sign3A_32 : i32 to vector<16xi32>
    %sign3A_34 = arith.cmpi sgt, %iota3A, %sign3A_33 : vector<16xi32>
    %sign3A_35 = arith.extui %sign3A_34 : vector<16xi1> to vector<16xi32>
    %sign3A_36 = arith.constant 0 : i32
    %sign3A_37 = vector.broadcast %sign3A_36 : i32 to vector<16xi32>
    %sign3A_38 = arith.cmpi slt, %iota3A, %sign3A_37 : vector<16xi32>
    %sign3A_39 = arith.extui %sign3A_38 : vector<16xi1> to vector<16xi32>
    %sign3A_40 = arith.subi %sign3A_35, %sign3A_39 : vector<16xi32>
    %sign3A_41 = arith.constant 0 : i32
    %sign3A_42 = arith.cmpi sgt, %jit3A_29, %sign3A_41 : i32
    %sign3A_43 = arith.extui %sign3A_42 : i1 to i32
    %sign3A_44 = arith.constant 0 : i32
    %sign3A_45 = arith.cmpi slt, %jit3A_29, %sign3A_44 : i32
    %sign3A_46 = arith.extui %sign3A_45 : i1 to i32
    %sign3A_47 = arith.subi %sign3A_43, %sign3A_46 : i32
    %ne3A_48 = vector.broadcast %sign3A_47 : i32 to vector<16xi32>
    %ne3A_49 = arith.cmpi ne, %sign3A_40, %ne3A_48 : vector<16xi32>
    %rem3A_50 = vector.broadcast %jit3A_29 : i32 to vector<16xi32>
    %rem3A_51 = arith.remsi %iota3A, %rem3A_50 : vector<16xi32>
    %ne3A_52 = arith.constant 0 : i32
    %ne3A_53 = vector.broadcast %ne3A_52 : i32 to vector<16xi32>
    %ne3A_54 = arith.cmpi ne, %rem3A_51, %ne3A_53 : vector<16xi32>
    %and3A_55 = arith.andi %ne3A_49, %ne3A_54 : vector<16xi1>
    %sub3A_56 = arith.constant 1 : i32
    %sub3A_57 = vector.broadcast %sub3A_56 : i32 to vector<16xi32>
    %sub3A_58 = arith.subi %div3A_31, %sub3A_57 : vector<16xi32>
    %select_n3A_59 = arith.select %and3A_55, %sub3A_58, %div3A_31 : vector<16xi1>, vector<16xi32>
    %add3A_60 = arith.constant 2 : i32
    %add3A_61 = vector.broadcast %add3A_60 : i32 to vector<16xi32>
    %add3A_62 = arith.addi %select_n3A_59, %add3A_61 : vector<16xi32>
    %jit3A_63 = arith.constant 8 : i32
    %div3A_64 = vector.broadcast %jit3A_63 : i32 to vector<16xi32>
    %div3A_65 = arith.divsi %iota3A, %div3A_64 : vector<16xi32>
    %sign3A_66 = arith.constant 0 : i32
    %sign3A_67 = vector.broadcast %sign3A_66 : i32 to vector<16xi32>
    %sign3A_68 = arith.cmpi sgt, %iota3A, %sign3A_67 : vector<16xi32>
    %sign3A_69 = arith.extui %sign3A_68 : vector<16xi1> to vector<16xi32>
    %sign3A_70 = arith.constant 0 : i32
    %sign3A_71 = vector.broadcast %sign3A_70 : i32 to vector<16xi32>
    %sign3A_72 = arith.cmpi slt, %iota3A, %sign3A_71 : vector<16xi32>
    %sign3A_73 = arith.extui %sign3A_72 : vector<16xi1> to vector<16xi32>
    %sign3A_74 = arith.subi %sign3A_69, %sign3A_73 : vector<16xi32>
    %sign3A_75 = arith.constant 0 : i32
    %sign3A_76 = arith.cmpi sgt, %jit3A_63, %sign3A_75 : i32
    %sign3A_77 = arith.extui %sign3A_76 : i1 to i32
    %sign3A_78 = arith.constant 0 : i32
    %sign3A_79 = arith.cmpi slt, %jit3A_63, %sign3A_78 : i32
    %sign3A_80 = arith.extui %sign3A_79 : i1 to i32
    %sign3A_81 = arith.subi %sign3A_77, %sign3A_80 : i32
    %ne3A_82 = vector.broadcast %sign3A_81 : i32 to vector<16xi32>
    %ne3A_83 = arith.cmpi ne, %sign3A_74, %ne3A_82 : vector<16xi32>
    %rem3A_84 = vector.broadcast %jit3A_63 : i32 to vector<16xi32>
    %rem3A_85 = arith.remsi %iota3A, %rem3A_84 : vector<16xi32>
    %ne3A_86 = arith.constant 0 : i32
    %ne3A_87 = vector.broadcast %ne3A_86 : i32 to vector<16xi32>
    %ne3A_88 = arith.cmpi ne, %rem3A_85, %ne3A_87 : vector<16xi32>
    %and3A_89 = arith.andi %ne3A_83, %ne3A_88 : vector<16xi1>
    %sub3A_90 = arith.constant 1 : i32
    %sub3A_91 = vector.broadcast %sub3A_90 : i32 to vector<16xi32>
    %sub3A_92 = arith.subi %div3A_65, %sub3A_91 : vector<16xi32>
    %select_n3A_93 = arith.select %and3A_89, %sub3A_92, %div3A_65 : vector<16xi1>, vector<16xi32>
    %add3A_94 = arith.constant 4 : i32
    %add3A_95 = vector.broadcast %add3A_94 : i32 to vector<16xi32>
    %add3A_96 = arith.addi %select_n3A_93, %add3A_95 : vector<16xi32>
    %jit3A_97 = arith.constant 8 : i32
    %div3A_98 = vector.broadcast %jit3A_97 : i32 to vector<16xi32>
    %div3A_99 = arith.divsi %iota3A, %div3A_98 : vector<16xi32>
    %sign3A_100 = arith.constant 0 : i32
    %sign3A_101 = vector.broadcast %sign3A_100 : i32 to vector<16xi32>
    %sign3A_102 = arith.cmpi sgt, %iota3A, %sign3A_101 : vector<16xi32>
    %sign3A_103 = arith.extui %sign3A_102 : vector<16xi1> to vector<16xi32>
    %sign3A_104 = arith.constant 0 : i32
    %sign3A_105 = vector.broadcast %sign3A_104 : i32 to vector<16xi32>
    %sign3A_106 = arith.cmpi slt, %iota3A, %sign3A_105 : vector<16xi32>
    %sign3A_107 = arith.extui %sign3A_106 : vector<16xi1> to vector<16xi32>
    %sign3A_108 = arith.subi %sign3A_103, %sign3A_107 : vector<16xi32>
    %sign3A_109 = arith.constant 0 : i32
    %sign3A_110 = arith.cmpi sgt, %jit3A_97, %sign3A_109 : i32
    %sign3A_111 = arith.extui %sign3A_110 : i1 to i32
    %sign3A_112 = arith.constant 0 : i32
    %sign3A_113 = arith.cmpi slt, %jit3A_97, %sign3A_112 : i32
    %sign3A_114 = arith.extui %sign3A_113 : i1 to i32
    %sign3A_115 = arith.subi %sign3A_111, %sign3A_114 : i32
    %ne3A_116 = vector.broadcast %sign3A_115 : i32 to vector<16xi32>
    %ne3A_117 = arith.cmpi ne, %sign3A_108, %ne3A_116 : vector<16xi32>
    %rem3A_118 = vector.broadcast %jit3A_97 : i32 to vector<16xi32>
    %rem3A_119 = arith.remsi %iota3A, %rem3A_118 : vector<16xi32>
    %ne3A_120 = arith.constant 0 : i32
    %ne3A_121 = vector.broadcast %ne3A_120 : i32 to vector<16xi32>
    %ne3A_122 = arith.cmpi ne, %rem3A_119, %ne3A_121 : vector<16xi32>
    %and3A_123 = arith.andi %ne3A_117, %ne3A_122 : vector<16xi1>
    %sub3A_124 = arith.constant 1 : i32
    %sub3A_125 = vector.broadcast %sub3A_124 : i32 to vector<16xi32>
    %sub3A_126 = arith.subi %div3A_99, %sub3A_125 : vector<16xi32>
    %select_n3A_127 = arith.select %and3A_123, %sub3A_126, %div3A_99 : vector<16xi1>, vector<16xi32>
    %add3A_128 = arith.constant 6 : i32
    %add3A_129 = vector.broadcast %add3A_128 : i32 to vector<16xi32>
    %add3A_130 = arith.addi %select_n3A_127, %add3A_129 : vector<16xi32>
    %jit3A_131 = arith.constant 8 : i32
    %eq3A = arith.constant 0 : i32
    %eq3A_132 = arith.cmpi eq, %jit3A_131, %eq3A : i32
    %jit3A_133 = arith.constant 1 : i32
    %select_n3A_134 = arith.select %eq3A_132, %jit3A_133, %jit3A_131 : i32
    %rem3A_135 = vector.broadcast %select_n3A_134 : i32 to vector<16xi32>
    %rem3A_136 = arith.remsi %iota3A, %rem3A_135 : vector<16xi32>
    %ne3A_137 = arith.constant 0 : i32
    %ne3A_138 = vector.broadcast %ne3A_137 : i32 to vector<16xi32>
    %ne3A_139 = arith.cmpi ne, %rem3A_136, %ne3A_138 : vector<16xi32>
    %lt3A = arith.constant 0 : i32
    %lt3A_140 = vector.broadcast %lt3A : i32 to vector<16xi32>
    %lt3A_141 = arith.cmpi slt, %rem3A_136, %lt3A_140 : vector<16xi32>
    %lt3A_142 = arith.constant 0 : i32
    %lt3A_143 = arith.cmpi slt, %select_n3A_134, %lt3A_142 : i32
    %ne3A_144 = vector.broadcast %lt3A_143 : i1 to vector<16xi1>
    %ne3A_145 = vector.broadcast %ne3A_144 : vector<16xi1> to vector<16xi1>
    %ne3A_146 = arith.xori %lt3A_141, %ne3A_145 : vector<16xi1>
    %and3A_147 = arith.andi %ne3A_146, %ne3A_139 : vector<16xi1>
    %add3A_148 = vector.broadcast %select_n3A_134 : i32 to vector<16xi32>
    %add3A_149 = arith.addi %rem3A_136, %add3A_148 : vector<16xi32>
    %select_n3A_150 = arith.select %and3A_147, %add3A_149, %rem3A_136 : vector<16xi1>, vector<16xi32>
    %dma_start3A = arith.constant 0 : i32
    %dma_start3A_151 = arith.constant 0 : i32
    %dma_start3A_152 = tpu.memref_slice %arg5[%dma_start3A, %dma_start3A_151] : memref<200x128xi32, #tpu.memory_space<vmem>> -> memref<1x128xi32, #tpu.memory_space<vmem>>
    %dma_start3A_153 = tpu.memref_squeeze %dma_start3A_152 : memref<1x128xi32, #tpu.memory_space<vmem>> -> memref<128xi32, #tpu.memory_space<vmem>>
    %dma_start3A_154 = arith.constant 0 : i32
    %dma_start3A_155 = arith.constant 0 : i32
    %dma_start3A_156 = tpu.memref_slice %arg2[%dma_start3A_154, %dma_start3A_155] : memref<1000000x64xf32, #tpu.memory_space<hbm>> -> memref<1000000x64xf32, #tpu.memory_space<hbm>>
    tpu.enqueue_indirect_dma source(%dma_start3A_156 : memref<1000000x64xf32, #tpu.memory_space<hbm>>) target(%arg6 : memref<128x64xf32, #tpu.memory_space<vmem>>) offsets(%dma_start3A_153 : memref<128xi32, #tpu.memory_space<vmem>>) semaphore(%arg14 : memref<!tpu.dma_semaphore, #tpu.memory_space<semaphore_mem>>)
    %dma_start3A_157 = arith.constant 1 : i32
    %dma_start3A_158 = arith.constant 0 : i32
    %dma_start3A_159 = tpu.memref_slice %arg5[%dma_start3A_157, %dma_start3A_158] : memref<200x128xi32, #tpu.memory_space<vmem>> -> memref<1x128xi32, #tpu.memory_space<vmem>>
    %dma_start3A_160 = tpu.memref_squeeze %dma_start3A_159 : memref<1x128xi32, #tpu.memory_space<vmem>> -> memref<128xi32, #tpu.memory_space<vmem>>
    %dma_start3A_161 = arith.constant 0 : i32
    %dma_start3A_162 = arith.constant 0 : i32
    %dma_start3A_163 = tpu.memref_slice %arg2[%dma_start3A_161, %dma_start3A_162] : memref<1000000x64xf32, #tpu.memory_space<hbm>> -> memref<1000000x64xf32, #tpu.memory_space<hbm>>
    tpu.enqueue_indirect_dma source(%dma_start3A_163 : memref<1000000x64xf32, #tpu.memory_space<hbm>>) target(%arg7 : memref<128x64xf32, #tpu.memory_space<vmem>>) offsets(%dma_start3A_160 : memref<128xi32, #tpu.memory_space<vmem>>) semaphore(%arg15 : memref<!tpu.dma_semaphore, #tpu.memory_space<semaphore_mem>>)
    %dma_start3A_164 = arith.constant 2 : i32
    %dma_start3A_165 = arith.constant 0 : i32
    %dma_start3A_166 = tpu.memref_slice %arg5[%dma_start3A_164, %dma_start3A_165] : memref<200x128xi32, #tpu.memory_space<vmem>> -> memref<1x128xi32, #tpu.memory_space<vmem>>
    %dma_start3A_167 = tpu.memref_squeeze %dma_start3A_166 : memref<1x128xi32, #tpu.memory_space<vmem>> -> memref<128xi32, #tpu.memory_space<vmem>>
    %dma_start3A_168 = arith.constant 0 : i32
    %dma_start3A_169 = arith.constant 0 : i32
    %dma_start3A_170 = tpu.memref_slice %arg2[%dma_start3A_168, %dma_start3A_169] : memref<1000000x64xf32, #tpu.memory_space<hbm>> -> memref<1000000x64xf32, #tpu.memory_space<hbm>>
    tpu.enqueue_indirect_dma source(%dma_start3A_170 : memref<1000000x64xf32, #tpu.memory_space<hbm>>) target(%arg8 : memref<128x64xf32, #tpu.memory_space<vmem>>) offsets(%dma_start3A_167 : memref<128xi32, #tpu.memory_space<vmem>>) semaphore(%arg16 : memref<!tpu.dma_semaphore, #tpu.memory_space<semaphore_mem>>)
    %dma_start3A_171 = arith.constant 3 : i32
    %dma_start3A_172 = arith.constant 0 : i32
    %dma_start3A_173 = tpu.memref_slice %arg5[%dma_start3A_171, %dma_start3A_172] : memref<200x128xi32, #tpu.memory_space<vmem>> -> memref<1x128xi32, #tpu.memory_space<vmem>>
    %dma_start3A_174 = tpu.memref_squeeze %dma_start3A_173 : memref<1x128xi32, #tpu.memory_space<vmem>> -> memref<128xi32, #tpu.memory_space<vmem>>
    %dma_start3A_175 = arith.constant 0 : i32
    %dma_start3A_176 = arith.constant 0 : i32
    %dma_start3A_177 = tpu.memref_slice %arg2[%dma_start3A_175, %dma_start3A_176] : memref<1000000x64xf32, #tpu.memory_space<hbm>> -> memref<1000000x64xf32, #tpu.memory_space<hbm>>
    tpu.enqueue_indirect_dma source(%dma_start3A_177 : memref<1000000x64xf32, #tpu.memory_space<hbm>>) target(%arg9 : memref<128x64xf32, #tpu.memory_space<vmem>>) offsets(%dma_start3A_174 : memref<128xi32, #tpu.memory_space<vmem>>) semaphore(%arg17 : memref<!tpu.dma_semaphore, #tpu.memory_space<semaphore_mem>>)
    %scan3A = arith.constant 0 : i32
    %scan3A_178 = arith.constant 0 : i32
    %scan3A_179 = arith.constant 50 : i32
    %scan3A_180 = arith.addi %scan3A_178, %scan3A_179 : i32
    %scan3A_181 = arith.constant 1 : i32
    scf.for %scan3A_258 = %scan3A_178 to %scan3A_180 step %scan3A_181  : i32 {
      %mul3A_259 = arith.constant 4 : i32
      %mul3A_260 = arith.muli %scan3A_258, %mul3A_259 : i32
      %add3A_261 = arith.constant 0 : i32
      %add3A_262 = arith.addi %mul3A_260, %add3A_261 : i32
      %dma_wait3A_263 = arith.constant 0 : i32
      %dma_wait3A_264 = tpu.memref_slice %arg5[%add3A_262, %dma_wait3A_263] : memref<200x128xi32, #tpu.memory_space<vmem>> -> memref<1x128xi32, #tpu.memory_space<vmem>>
      %dma_wait3A_265 = tpu.memref_squeeze %dma_wait3A_264 : memref<1x128xi32, #tpu.memory_space<vmem>> -> memref<128xi32, #tpu.memory_space<vmem>>
      %dma_wait3A_266 = arith.constant 0 : i32
      %dma_wait3A_267 = arith.constant 0 : i32
      %dma_wait3A_268 = tpu.memref_slice %arg2[%dma_wait3A_266, %dma_wait3A_267] : memref<1000000x64xf32, #tpu.memory_space<hbm>> -> memref<1000000x64xf32, #tpu.memory_space<hbm>>
      tpu.wait_indirect_dma semaphore(%arg14 : memref<!tpu.dma_semaphore, #tpu.memory_space<semaphore_mem>>) src(%dma_wait3A_268 : memref<1000000x64xf32, #tpu.memory_space<hbm>>) dst(%arg6 : memref<128x64xf32, #tpu.memory_space<vmem>>)
      %ge3A = arith.constant 4 : i32
      %ge3A_269 = arith.cmpi sge, %add3A_262, %ge3A : i32
      %convert_element_type3A = arith.extui %ge3A_269 : i1 to i32
      %cond3A = arith.constant 0 : i32
      %cond3A_270 = arith.cmpi ne, %convert_element_type3A, %cond3A : i32
      scf.if %cond3A_270 {
        %sub3A_427 = arith.constant 4 : i32
        %sub3A_428 = arith.subi %add3A_262, %sub3A_427 : i32
        %dma_wait3A_429 = arith.constant 0 : i32
        %dma_wait3A_430 = arith.constant 0 : i32
        %dma_wait3A_431 = arith.constant 0 : i32
        %dma_wait3A_432 = tpu.memref_slice %arg10[%dma_wait3A_429, %dma_wait3A_430, %dma_wait3A_431] : memref<8x8x129xf32, #tpu.memory_space<vmem>> -> memref<8x8x128xf32, #tpu.memory_space<vmem>>
        %dma_wait3A_433 = arith.constant 0 : i32
        %dma_wait3A_434 = arith.constant 0 : i32
        %dma_wait3A_435 = arith.constant 0 : i32
        %dma_wait3A_436 = tpu.memref_slice %arg4[%sub3A_428, %dma_wait3A_433, %add3A, %dma_wait3A_434, %dma_wait3A_435] : memref<200x8x32x8x128xf32, #tpu.memory_space<hbm>> -> memref<1x8x1x8x128xf32, #tpu.memory_space<hbm>>
        %dma_wait3A_437 = tpu.memref_squeeze %dma_wait3A_436 : memref<1x8x1x8x128xf32, #tpu.memory_space<hbm>> -> memref<8x8x128xf32, #tpu.memory_space<hbm>>
        %dma_wait3A_438 = arith.constant 0 : i32
        %dma_wait3A_439 = arith.constant 0 : i32
        %dma_wait3A_440 = arith.constant 0 : i32
        %dma_wait3A_441 = tpu.memref_slice %arg4[%sub3A_428, %dma_wait3A_438, %add3A, %dma_wait3A_439, %dma_wait3A_440] : memref<200x8x32x8x128xf32, #tpu.memory_space<hbm>> -> memref<1x8x1x8x128xf32, #tpu.memory_space<hbm>>
        %dma_wait3A_442 = tpu.memref_squeeze %dma_wait3A_441 : memref<1x8x1x8x128xf32, #tpu.memory_space<hbm>> -> memref<8x8x128xf32, #tpu.memory_space<hbm>>
        %dma_wait3A_443 = arith.constant 0 : i32
        %dma_wait3A_444 = arith.constant 0 : i32
        %dma_wait3A_445 = arith.constant 0 : i32
        %dma_wait3A_446 = tpu.memref_slice %arg10[%dma_wait3A_443, %dma_wait3A_444, %dma_wait3A_445] : memref<8x8x129xf32, #tpu.memory_space<vmem>> -> memref<8x8x128xf32, #tpu.memory_space<vmem>>
        tpu.wait_dma2 semaphore(%arg18 : memref<!tpu.dma_semaphore, #tpu.memory_space<semaphore_mem>>) src(%dma_wait3A_446 : memref<8x8x128xf32, #tpu.memory_space<vmem>>) dst(%dma_wait3A_442 : memref<8x8x128xf32, #tpu.memory_space<hbm>>)
      } else {
      }
      %parallel_loop3A = arith.constant 0 : i32
      %parallel_loop3A_271 = arith.constant 128 : i32
      %parallel_loop3A_272 = arith.constant 1 : i32
      scf.for %parallel_loop3A_427 = %parallel_loop3A to %parallel_loop3A_271 step %parallel_loop3A_272  : i32 {
        %parallel_loop3A_428 = vector.broadcast %parallel_loop3A_427 : i32 to vector<16xi32>
        %parallel_loop3A_429 = arith.index_cast %parallel_loop3A_427 : i32 to index
        %parallel_loop3A_430 = arith.constant 0 : index
        %parallel_loop3A_431 = tpu.vector_load %arg6[%parallel_loop3A_429, %parallel_loop3A_430] {strides = array<i32>} : memref<128x64xf32, #tpu.memory_space<vmem>>, vector<16xf32>,
        %parallel_loop3A_432 = arith.constant 8.000000e+00 : f32
        %parallel_loop3A_433 = vector.broadcast %parallel_loop3A_432 : f32 to vector<16xf32>
        %parallel_loop3A_434 = arith.mulf %parallel_loop3A_431, %parallel_loop3A_433 : vector<16xf32>
        tpu.vector_store_idx %arg10[%add3A_28, %select_n3A_150, %parallel_loop3A_428], %parallel_loop3A_434 : memref<8x8x129xf32, #tpu.memory_space<vmem>>[vector<16xi32>, vector<16xi32>, vector<16xi32>], vector<16xf32>,
        %parallel_loop3A_435 = arith.index_cast %parallel_loop3A_427 : i32 to index
        %parallel_loop3A_436 = arith.constant 16 : index
        %parallel_loop3A_437 = tpu.vector_load %arg6[%parallel_loop3A_435, %parallel_loop3A_436] {strides = array<i32>} : memref<128x64xf32, #tpu.memory_space<vmem>>, vector<16xf32>,
        %parallel_loop3A_438 = arith.constant 8.000000e+00 : f32
        %parallel_loop3A_439 = vector.broadcast %parallel_loop3A_438 : f32 to vector<16xf32>
        %parallel_loop3A_440 = arith.mulf %parallel_loop3A_437, %parallel_loop3A_439 : vector<16xf32>
        tpu.vector_store_idx %arg10[%add3A_62, %select_n3A_150, %parallel_loop3A_428], %parallel_loop3A_440 : memref<8x8x129xf32, #tpu.memory_space<vmem>>[vector<16xi32>, vector<16xi32>, vector<16xi32>], vector<16xf32>,
        %parallel_loop3A_441 = arith.index_cast %parallel_loop3A_427 : i32 to index
        %parallel_loop3A_442 = arith.constant 32 : index
        %parallel_loop3A_443 = tpu.vector_load %arg6[%parallel_loop3A_441, %parallel_loop3A_442] {strides = array<i32>} : memref<128x64xf32, #tpu.memory_space<vmem>>, vector<16xf32>,
        %parallel_loop3A_444 = arith.constant 8.000000e+00 : f32
        %parallel_loop3A_445 = vector.broadcast %parallel_loop3A_444 : f32 to vector<16xf32>
        %parallel_loop3A_446 = arith.mulf %parallel_loop3A_443, %parallel_loop3A_445 : vector<16xf32>
        tpu.vector_store_idx %arg10[%add3A_96, %select_n3A_150, %parallel_loop3A_428], %parallel_loop3A_446 : memref<8x8x129xf32, #tpu.memory_space<vmem>>[vector<16xi32>, vector<16xi32>, vector<16xi32>], vector<16xf32>,
        %parallel_loop3A_447 = arith.index_cast %parallel_loop3A_427 : i32 to index
        %parallel_loop3A_448 = arith.constant 48 : index
        %parallel_loop3A_449 = tpu.vector_load %arg6[%parallel_loop3A_447, %parallel_loop3A_448] {strides = array<i32>} : memref<128x64xf32, #tpu.memory_space<vmem>>, vector<16xf32>,
        %parallel_loop3A_450 = arith.constant 8.000000e+00 : f32
        %parallel_loop3A_451 = vector.broadcast %parallel_loop3A_450 : f32 to vector<16xf32>
        %parallel_loop3A_452 = arith.mulf %parallel_loop3A_449, %parallel_loop3A_451 : vector<16xf32>
        tpu.vector_store_idx %arg10[%add3A_130, %select_n3A_150, %parallel_loop3A_428], %parallel_loop3A_452 : memref<8x8x129xf32, #tpu.memory_space<vmem>>[vector<16xi32>, vector<16xi32>, vector<16xi32>], vector<16xf32>,
      } {sc.loop_unroll_factor = 4 : i64, sc.parallel_access}
      %add3A_273 = arith.constant 4 : i32
      %add3A_274 = arith.addi %add3A_262, %add3A_273 : i32
      %lt3A_275 = arith.constant 200 : i32
      %lt3A_276 = arith.cmpi slt, %add3A_274, %lt3A_275 : i32
      %convert_element_type3A_277 = arith.extui %lt3A_276 : i1 to i32
      %cond3A_278 = arith.constant 0 : i32
      %cond3A_279 = arith.cmpi ne, %convert_element_type3A_277, %cond3A_278 : i32
      scf.if %cond3A_279 {
        %add3A_427 = arith.constant 4 : i32
        %add3A_428 = arith.addi %add3A_262, %add3A_427 : i32
        %dma_start3A_429 = arith.constant 0 : i32
        %dma_start3A_430 = tpu.memref_slice %arg5[%add3A_428, %dma_start3A_429] : memref<200x128xi32, #tpu.memory_space<vmem>> -> memref<1x128xi32, #tpu.memory_space<vmem>>
        %dma_start3A_431 = tpu.memref_squeeze %dma_start3A_430 : memref<1x128xi32, #tpu.memory_space<vmem>> -> memref<128xi32, #tpu.memory_space<vmem>>
        %dma_start3A_432 = arith.constant 0 : i32
        %dma_start3A_433 = arith.constant 0 : i32
        %dma_start3A_434 = tpu.memref_slice %arg2[%dma_start3A_432, %dma_start3A_433] : memref<1000000x64xf32, #tpu.memory_space<hbm>> -> memref<1000000x64xf32, #tpu.memory_space<hbm>>
        tpu.enqueue_indirect_dma source(%dma_start3A_434 : memref<1000000x64xf32, #tpu.memory_space<hbm>>) target(%arg6 : memref<128x64xf32, #tpu.memory_space<vmem>>) offsets(%dma_start3A_431 : memref<128xi32, #tpu.memory_space<vmem>>) semaphore(%arg14 : memref<!tpu.dma_semaphore, #tpu.memory_space<semaphore_mem>>)
      } else {
      }
      %dma_start3A_280 = arith.constant 0 : i32
      %dma_start3A_281 = arith.constant 0 : i32
      %dma_start3A_282 = arith.constant 0 : i32
      %dma_start3A_283 = tpu.memref_slice %arg10[%dma_start3A_280, %dma_start3A_281, %dma_start3A_282] : memref<8x8x129xf32, #tpu.memory_space<vmem>> -> memref<8x8x128xf32, #tpu.memory_space<vmem>>
      %dma_start3A_284 = arith.constant 0 : i32
      %dma_start3A_285 = arith.constant 0 : i32
      %dma_start3A_286 = arith.constant 0 : i32
      %dma_start3A_287 = tpu.memref_slice %arg4[%add3A_262, %dma_start3A_284, %add3A, %dma_start3A_285, %dma_start3A_286] : memref<200x8x32x8x128xf32, #tpu.memory_space<hbm>> -> memref<1x8x1x8x128xf32, #tpu.memory_space<hbm>>
      %dma_start3A_288 = tpu.memref_squeeze %dma_start3A_287 : memref<1x8x1x8x128xf32, #tpu.memory_space<hbm>> -> memref<8x8x128xf32, #tpu.memory_space<hbm>>
      %dma_start3A_289 = arith.constant 0 : i32
      %dma_start3A_290 = arith.constant 0 : i32
      %dma_start3A_291 = arith.constant 0 : i32
      %dma_start3A_292 = tpu.memref_slice %arg4[%add3A_262, %dma_start3A_289, %add3A, %dma_start3A_290, %dma_start3A_291] : memref<200x8x32x8x128xf32, #tpu.memory_space<hbm>> -> memref<1x8x1x8x128xf32, #tpu.memory_space<hbm>>
      %dma_start3A_293 = tpu.memref_squeeze %dma_start3A_292 : memref<1x8x1x8x128xf32, #tpu.memory_space<hbm>> -> memref<8x8x128xf32, #tpu.memory_space<hbm>>
      %dma_start3A_294 = arith.constant 0 : i32
      %dma_start3A_295 = arith.constant 0 : i32
      %dma_start3A_296 = arith.constant 0 : i32
      %dma_start3A_297 = tpu.memref_slice %arg10[%dma_start3A_294, %dma_start3A_295, %dma_start3A_296] : memref<8x8x129xf32, #tpu.memory_space<vmem>> -> memref<8x8x128xf32, #tpu.memory_space<vmem>>
      tpu.enqueue_dma source(%dma_start3A_297 : memref<8x8x128xf32, #tpu.memory_space<vmem>>) target(%dma_start3A_293 : memref<8x8x128xf32, #tpu.memory_space<hbm>>) target_semaphore(%arg18 : memref<!tpu.dma_semaphore, #tpu.memory_space<semaphore_mem>>)
      %mul3A_298 = arith.constant 4 : i32
      %mul3A_299 = arith.muli %scan3A_258, %mul3A_298 : i32
      %add3A_300 = arith.constant 1 : i32
      %add3A_301 = arith.addi %mul3A_299, %add3A_300 : i32
      %dma_wait3A_302 = arith.constant 0 : i32
      %dma_wait3A_303 = tpu.memref_slice %arg5[%add3A_301, %dma_wait3A_302] : memref<200x128xi32, #tpu.memory_space<vmem>> -> memref<1x128xi32, #tpu.memory_space<vmem>>
      %dma_wait3A_304 = tpu.memref_squeeze %dma_wait3A_303 : memref<1x128xi32, #tpu.memory_space<vmem>> -> memref<128xi32, #tpu.memory_space<vmem>>
      %dma_wait3A_305 = arith.constant 0 : i32
      %dma_wait3A_306 = arith.constant 0 : i32
      %dma_wait3A_307 = tpu.memref_slice %arg2[%dma_wait3A_305, %dma_wait3A_306] : memref<1000000x64xf32, #tpu.memory_space<hbm>> -> memref<1000000x64xf32, #tpu.memory_space<hbm>>
      tpu.wait_indirect_dma semaphore(%arg15 : memref<!tpu.dma_semaphore, #tpu.memory_space<semaphore_mem>>) src(%dma_wait3A_307 : memref<1000000x64xf32, #tpu.memory_space<hbm>>) dst(%arg7 : memref<128x64xf32, #tpu.memory_space<vmem>>)
      %ge3A_308 = arith.constant 4 : i32
      %ge3A_309 = arith.cmpi sge, %add3A_301, %ge3A_308 : i32
      %convert_element_type3A_310 = arith.extui %ge3A_309 : i1 to i32
      %cond3A_311 = arith.constant 0 : i32
      %cond3A_312 = arith.cmpi ne, %convert_element_type3A_310, %cond3A_311 : i32
      scf.if %cond3A_312 {
        %sub3A_427 = arith.constant 4 : i32
        %sub3A_428 = arith.subi %add3A_301, %sub3A_427 : i32
        %dma_wait3A_429 = arith.constant 0 : i32
        %dma_wait3A_430 = arith.constant 0 : i32
        %dma_wait3A_431 = arith.constant 0 : i32
        %dma_wait3A_432 = tpu.memref_slice %arg11[%dma_wait3A_429, %dma_wait3A_430, %dma_wait3A_431] : memref<8x8x129xf32, #tpu.memory_space<vmem>> -> memref<8x8x128xf32, #tpu.memory_space<vmem>>
        %dma_wait3A_433 = arith.constant 0 : i32
        %dma_wait3A_434 = arith.constant 0 : i32
        %dma_wait3A_435 = arith.constant 0 : i32
        %dma_wait3A_436 = tpu.memref_slice %arg4[%sub3A_428, %dma_wait3A_433, %add3A, %dma_wait3A_434, %dma_wait3A_435] : memref<200x8x32x8x128xf32, #tpu.memory_space<hbm>> -> memref<1x8x1x8x128xf32, #tpu.memory_space<hbm>>
        %dma_wait3A_437 = tpu.memref_squeeze %dma_wait3A_436 : memref<1x8x1x8x128xf32, #tpu.memory_space<hbm>> -> memref<8x8x128xf32, #tpu.memory_space<hbm>>
        %dma_wait3A_438 = arith.constant 0 : i32
        %dma_wait3A_439 = arith.constant 0 : i32
        %dma_wait3A_440 = arith.constant 0 : i32
        %dma_wait3A_441 = tpu.memref_slice %arg4[%sub3A_428, %dma_wait3A_438, %add3A, %dma_wait3A_439, %dma_wait3A_440] : memref<200x8x32x8x128xf32, #tpu.memory_space<hbm>> -> memref<1x8x1x8x128xf32, #tpu.memory_space<hbm>>
        %dma_wait3A_442 = tpu.memref_squeeze %dma_wait3A_441 : memref<1x8x1x8x128xf32, #tpu.memory_space<hbm>> -> memref<8x8x128xf32, #tpu.memory_space<hbm>>
        %dma_wait3A_443 = arith.constant 0 : i32
        %dma_wait3A_444 = arith.constant 0 : i32
        %dma_wait3A_445 = arith.constant 0 : i32
        %dma_wait3A_446 = tpu.memref_slice %arg11[%dma_wait3A_443, %dma_wait3A_444, %dma_wait3A_445] : memref<8x8x129xf32, #tpu.memory_space<vmem>> -> memref<8x8x128xf32, #tpu.memory_space<vmem>>
        tpu.wait_dma2 semaphore(%arg19 : memref<!tpu.dma_semaphore, #tpu.memory_space<semaphore_mem>>) src(%dma_wait3A_446 : memref<8x8x128xf32, #tpu.memory_space<vmem>>) dst(%dma_wait3A_442 : memref<8x8x128xf32, #tpu.memory_space<hbm>>)
      } else {
      }
      %parallel_loop3A_313 = arith.constant 0 : i32
      %parallel_loop3A_314 = arith.constant 128 : i32
      %parallel_loop3A_315 = arith.constant 1 : i32
      scf.for %parallel_loop3A_427 = %parallel_loop3A_313 to %parallel_loop3A_314 step %parallel_loop3A_315  : i32 {
        %parallel_loop3A_428 = vector.broadcast %parallel_loop3A_427 : i32 to vector<16xi32>
        %parallel_loop3A_429 = arith.index_cast %parallel_loop3A_427 : i32 to index
        %parallel_loop3A_430 = arith.constant 0 : index
        %parallel_loop3A_431 = tpu.vector_load %arg7[%parallel_loop3A_429, %parallel_loop3A_430] {strides = array<i32>} : memref<128x64xf32, #tpu.memory_space<vmem>>, vector<16xf32>,
        %parallel_loop3A_432 = arith.constant 8.000000e+00 : f32
        %parallel_loop3A_433 = vector.broadcast %parallel_loop3A_432 : f32 to vector<16xf32>
        %parallel_loop3A_434 = arith.mulf %parallel_loop3A_431, %parallel_loop3A_433 : vector<16xf32>
        tpu.vector_store_idx %arg11[%add3A_28, %select_n3A_150, %parallel_loop3A_428], %parallel_loop3A_434 : memref<8x8x129xf32, #tpu.memory_space<vmem>>[vector<16xi32>, vector<16xi32>, vector<16xi32>], vector<16xf32>,
        %parallel_loop3A_435 = arith.index_cast %parallel_loop3A_427 : i32 to index
        %parallel_loop3A_436 = arith.constant 16 : index
        %parallel_loop3A_437 = tpu.vector_load %arg7[%parallel_loop3A_435, %parallel_loop3A_436] {strides = array<i32>} : memref<128x64xf32, #tpu.memory_space<vmem>>, vector<16xf32>,
        %parallel_loop3A_438 = arith.constant 8.000000e+00 : f32
        %parallel_loop3A_439 = vector.broadcast %parallel_loop3A_438 : f32 to vector<16xf32>
        %parallel_loop3A_440 = arith.mulf %parallel_loop3A_437, %parallel_loop3A_439 : vector<16xf32>
        tpu.vector_store_idx %arg11[%add3A_62, %select_n3A_150, %parallel_loop3A_428], %parallel_loop3A_440 : memref<8x8x129xf32, #tpu.memory_space<vmem>>[vector<16xi32>, vector<16xi32>, vector<16xi32>], vector<16xf32>,
        %parallel_loop3A_441 = arith.index_cast %parallel_loop3A_427 : i32 to index
        %parallel_loop3A_442 = arith.constant 32 : index
        %parallel_loop3A_443 = tpu.vector_load %arg7[%parallel_loop3A_441, %parallel_loop3A_442] {strides = array<i32>} : memref<128x64xf32, #tpu.memory_space<vmem>>, vector<16xf32>,
        %parallel_loop3A_444 = arith.constant 8.000000e+00 : f32
        %parallel_loop3A_445 = vector.broadcast %parallel_loop3A_444 : f32 to vector<16xf32>
        %parallel_loop3A_446 = arith.mulf %parallel_loop3A_443, %parallel_loop3A_445 : vector<16xf32>
        tpu.vector_store_idx %arg11[%add3A_96, %select_n3A_150, %parallel_loop3A_428], %parallel_loop3A_446 : memref<8x8x129xf32, #tpu.memory_space<vmem>>[vector<16xi32>, vector<16xi32>, vector<16xi32>], vector<16xf32>,
        %parallel_loop3A_447 = arith.index_cast %parallel_loop3A_427 : i32 to index
        %parallel_loop3A_448 = arith.constant 48 : index
        %parallel_loop3A_449 = tpu.vector_load %arg7[%parallel_loop3A_447, %parallel_loop3A_448] {strides = array<i32>} : memref<128x64xf32, #tpu.memory_space<vmem>>, vector<16xf32>,
        %parallel_loop3A_450 = arith.constant 8.000000e+00 : f32
        %parallel_loop3A_451 = vector.broadcast %parallel_loop3A_450 : f32 to vector<16xf32>
        %parallel_loop3A_452 = arith.mulf %parallel_loop3A_449, %parallel_loop3A_451 : vector<16xf32>
        tpu.vector_store_idx %arg11[%add3A_130, %select_n3A_150, %parallel_loop3A_428], %parallel_loop3A_452 : memref<8x8x129xf32, #tpu.memory_space<vmem>>[vector<16xi32>, vector<16xi32>, vector<16xi32>], vector<16xf32>,
      } {sc.loop_unroll_factor = 4 : i64, sc.parallel_access}
      %add3A_316 = arith.constant 4 : i32
      %add3A_317 = arith.addi %add3A_301, %add3A_316 : i32
      %lt3A_318 = arith.constant 200 : i32
      %lt3A_319 = arith.cmpi slt, %add3A_317, %lt3A_318 : i32
      %convert_element_type3A_320 = arith.extui %lt3A_319 : i1 to i32
      %cond3A_321 = arith.constant 0 : i32
      %cond3A_322 = arith.cmpi ne, %convert_element_type3A_320, %cond3A_321 : i32
      scf.if %cond3A_322 {
        %add3A_427 = arith.constant 4 : i32
        %add3A_428 = arith.addi %add3A_301, %add3A_427 : i32
        %dma_start3A_429 = arith.constant 0 : i32
        %dma_start3A_430 = tpu.memref_slice %arg5[%add3A_428, %dma_start3A_429] : memref<200x128xi32, #tpu.memory_space<vmem>> -> memref<1x128xi32, #tpu.memory_space<vmem>>
        %dma_start3A_431 = tpu.memref_squeeze %dma_start3A_430 : memref<1x128xi32, #tpu.memory_space<vmem>> -> memref<128xi32, #tpu.memory_space<vmem>>
        %dma_start3A_432 = arith.constant 0 : i32
        %dma_start3A_433 = arith.constant 0 : i32
        %dma_start3A_434 = tpu.memref_slice %arg2[%dma_start3A_432, %dma_start3A_433] : memref<1000000x64xf32, #tpu.memory_space<hbm>> -> memref<1000000x64xf32, #tpu.memory_space<hbm>>
        tpu.enqueue_indirect_dma source(%dma_start3A_434 : memref<1000000x64xf32, #tpu.memory_space<hbm>>) target(%arg7 : memref<128x64xf32, #tpu.memory_space<vmem>>) offsets(%dma_start3A_431 : memref<128xi32, #tpu.memory_space<vmem>>) semaphore(%arg15 : memref<!tpu.dma_semaphore, #tpu.memory_space<semaphore_mem>>)
      } else {
      }
      %dma_start3A_323 = arith.constant 0 : i32
      %dma_start3A_324 = arith.constant 0 : i32
      %dma_start3A_325 = arith.constant 0 : i32
      %dma_start3A_326 = tpu.memref_slice %arg11[%dma_start3A_323, %dma_start3A_324, %dma_start3A_325] : memref<8x8x129xf32, #tpu.memory_space<vmem>> -> memref<8x8x128xf32, #tpu.memory_space<vmem>>
      %dma_start3A_327 = arith.constant 0 : i32
      %dma_start3A_328 = arith.constant 0 : i32
      %dma_start3A_329 = arith.constant 0 : i32
      %dma_start3A_330 = tpu.memref_slice %arg4[%add3A_301, %dma_start3A_327, %add3A, %dma_start3A_328, %dma_start3A_329] : memref<200x8x32x8x128xf32, #tpu.memory_space<hbm>> -> memref<1x8x1x8x128xf32, #tpu.memory_space<hbm>>
      %dma_start3A_331 = tpu.memref_squeeze %dma_start3A_330 : memref<1x8x1x8x128xf32, #tpu.memory_space<hbm>> -> memref<8x8x128xf32, #tpu.memory_space<hbm>>
      %dma_start3A_332 = arith.constant 0 : i32
      %dma_start3A_333 = arith.constant 0 : i32
      %dma_start3A_334 = arith.constant 0 : i32
      %dma_start3A_335 = tpu.memref_slice %arg4[%add3A_301, %dma_start3A_332, %add3A, %dma_start3A_333, %dma_start3A_334] : memref<200x8x32x8x128xf32, #tpu.memory_space<hbm>> -> memref<1x8x1x8x128xf32, #tpu.memory_space<hbm>>
      %dma_start3A_336 = tpu.memref_squeeze %dma_start3A_335 : memref<1x8x1x8x128xf32, #tpu.memory_space<hbm>> -> memref<8x8x128xf32, #tpu.memory_space<hbm>>
      %dma_start3A_337 = arith.constant 0 : i32
      %dma_start3A_338 = arith.constant 0 : i32
      %dma_start3A_339 = arith.constant 0 : i32
      %dma_start3A_340 = tpu.memref_slice %arg11[%dma_start3A_337, %dma_start3A_338, %dma_start3A_339] : memref<8x8x129xf32, #tpu.memory_space<vmem>> -> memref<8x8x128xf32, #tpu.memory_space<vmem>>
      tpu.enqueue_dma source(%dma_start3A_340 : memref<8x8x128xf32, #tpu.memory_space<vmem>>) target(%dma_start3A_336 : memref<8x8x128xf32, #tpu.memory_space<hbm>>) target_semaphore(%arg19 : memref<!tpu.dma_semaphore, #tpu.memory_space<semaphore_mem>>)
      %mul3A_341 = arith.constant 4 : i32
      %mul3A_342 = arith.muli %scan3A_258, %mul3A_341 : i32
      %add3A_343 = arith.constant 2 : i32
      %add3A_344 = arith.addi %mul3A_342, %add3A_343 : i32
      %dma_wait3A_345 = arith.constant 0 : i32
      %dma_wait3A_346 = tpu.memref_slice %arg5[%add3A_344, %dma_wait3A_345] : memref<200x128xi32, #tpu.memory_space<vmem>> -> memref<1x128xi32, #tpu.memory_space<vmem>>
      %dma_wait3A_347 = tpu.memref_squeeze %dma_wait3A_346 : memref<1x128xi32, #tpu.memory_space<vmem>> -> memref<128xi32, #tpu.memory_space<vmem>>
      %dma_wait3A_348 = arith.constant 0 : i32
      %dma_wait3A_349 = arith.constant 0 : i32
      %dma_wait3A_350 = tpu.memref_slice %arg2[%dma_wait3A_348, %dma_wait3A_349] : memref<1000000x64xf32, #tpu.memory_space<hbm>> -> memref<1000000x64xf32, #tpu.memory_space<hbm>>
      tpu.wait_indirect_dma semaphore(%arg16 : memref<!tpu.dma_semaphore, #tpu.memory_space<semaphore_mem>>) src(%dma_wait3A_350 : memref<1000000x64xf32, #tpu.memory_space<hbm>>) dst(%arg8 : memref<128x64xf32, #tpu.memory_space<vmem>>)
      %ge3A_351 = arith.constant 4 : i32
      %ge3A_352 = arith.cmpi sge, %add3A_344, %ge3A_351 : i32
      %convert_element_type3A_353 = arith.extui %ge3A_352 : i1 to i32
      %cond3A_354 = arith.constant 0 : i32
      %cond3A_355 = arith.cmpi ne, %convert_element_type3A_353, %cond3A_354 : i32
      scf.if %cond3A_355 {
        %sub3A_427 = arith.constant 4 : i32
        %sub3A_428 = arith.subi %add3A_344, %sub3A_427 : i32
        %dma_wait3A_429 = arith.constant 0 : i32
        %dma_wait3A_430 = arith.constant 0 : i32
        %dma_wait3A_431 = arith.constant 0 : i32
        %dma_wait3A_432 = tpu.memref_slice %arg12[%dma_wait3A_429, %dma_wait3A_430, %dma_wait3A_431] : memref<8x8x129xf32, #tpu.memory_space<vmem>> -> memref<8x8x128xf32, #tpu.memory_space<vmem>>
        %dma_wait3A_433 = arith.constant 0 : i32
        %dma_wait3A_434 = arith.constant 0 : i32
        %dma_wait3A_435 = arith.constant 0 : i32
        %dma_wait3A_436 = tpu.memref_slice %arg4[%sub3A_428, %dma_wait3A_433, %add3A, %dma_wait3A_434, %dma_wait3A_435] : memref<200x8x32x8x128xf32, #tpu.memory_space<hbm>> -> memref<1x8x1x8x128xf32, #tpu.memory_space<hbm>>
        %dma_wait3A_437 = tpu.memref_squeeze %dma_wait3A_436 : memref<1x8x1x8x128xf32, #tpu.memory_space<hbm>> -> memref<8x8x128xf32, #tpu.memory_space<hbm>>
        %dma_wait3A_438 = arith.constant 0 : i32
        %dma_wait3A_439 = arith.constant 0 : i32
        %dma_wait3A_440 = arith.constant 0 : i32
        %dma_wait3A_441 = tpu.memref_slice %arg4[%sub3A_428, %dma_wait3A_438, %add3A, %dma_wait3A_439, %dma_wait3A_440] : memref<200x8x32x8x128xf32, #tpu.memory_space<hbm>> -> memref<1x8x1x8x128xf32, #tpu.memory_space<hbm>>
        %dma_wait3A_442 = tpu.memref_squeeze %dma_wait3A_441 : memref<1x8x1x8x128xf32, #tpu.memory_space<hbm>> -> memref<8x8x128xf32, #tpu.memory_space<hbm>>
        %dma_wait3A_443 = arith.constant 0 : i32
        %dma_wait3A_444 = arith.constant 0 : i32
        %dma_wait3A_445 = arith.constant 0 : i32
        %dma_wait3A_446 = tpu.memref_slice %arg12[%dma_wait3A_443, %dma_wait3A_444, %dma_wait3A_445] : memref<8x8x129xf32, #tpu.memory_space<vmem>> -> memref<8x8x128xf32, #tpu.memory_space<vmem>>
        tpu.wait_dma2 semaphore(%arg20 : memref<!tpu.dma_semaphore, #tpu.memory_space<semaphore_mem>>) src(%dma_wait3A_446 : memref<8x8x128xf32, #tpu.memory_space<vmem>>) dst(%dma_wait3A_442 : memref<8x8x128xf32, #tpu.memory_space<hbm>>)
      } else {
      }
      %parallel_loop3A_356 = arith.constant 0 : i32
      %parallel_loop3A_357 = arith.constant 128 : i32
      %parallel_loop3A_358 = arith.constant 1 : i32
      scf.for %parallel_loop3A_427 = %parallel_loop3A_356 to %parallel_loop3A_357 step %parallel_loop3A_358  : i32 {
        %parallel_loop3A_428 = vector.broadcast %parallel_loop3A_427 : i32 to vector<16xi32>
        %parallel_loop3A_429 = arith.index_cast %parallel_loop3A_427 : i32 to index
        %parallel_loop3A_430 = arith.constant 0 : index
        %parallel_loop3A_431 = tpu.vector_load %arg8[%parallel_loop3A_429, %parallel_loop3A_430] {strides = array<i32>} : memref<128x64xf32, #tpu.memory_space<vmem>>, vector<16xf32>,
        %parallel_loop3A_432 = arith.constant 8.000000e+00 : f32
        %parallel_loop3A_433 = vector.broadcast %parallel_loop3A_432 : f32 to vector<16xf32>
        %parallel_loop3A_434 = arith.mulf %parallel_loop3A_431, %parallel_loop3A_433 : vector<16xf32>
        tpu.vector_store_idx %arg12[%add3A_28, %select_n3A_150, %parallel_loop3A_428], %parallel_loop3A_434 : memref<8x8x129xf32, #tpu.memory_space<vmem>>[vector<16xi32>, vector<16xi32>, vector<16xi32>], vector<16xf32>,
        %parallel_loop3A_435 = arith.index_cast %parallel_loop3A_427 : i32 to index
        %parallel_loop3A_436 = arith.constant 16 : index
        %parallel_loop3A_437 = tpu.vector_load %arg8[%parallel_loop3A_435, %parallel_loop3A_436] {strides = array<i32>} : memref<128x64xf32, #tpu.memory_space<vmem>>, vector<16xf32>,
        %parallel_loop3A_438 = arith.constant 8.000000e+00 : f32
        %parallel_loop3A_439 = vector.broadcast %parallel_loop3A_438 : f32 to vector<16xf32>
        %parallel_loop3A_440 = arith.mulf %parallel_loop3A_437, %parallel_loop3A_439 : vector<16xf32>
        tpu.vector_store_idx %arg12[%add3A_62, %select_n3A_150, %parallel_loop3A_428], %parallel_loop3A_440 : memref<8x8x129xf32, #tpu.memory_space<vmem>>[vector<16xi32>, vector<16xi32>, vector<16xi32>], vector<16xf32>,
        %parallel_loop3A_441 = arith.index_cast %parallel_loop3A_427 : i32 to index
        %parallel_loop3A_442 = arith.constant 32 : index
        %parallel_loop3A_443 = tpu.vector_load %arg8[%parallel_loop3A_441, %parallel_loop3A_442] {strides = array<i32>} : memref<128x64xf32, #tpu.memory_space<vmem>>, vector<16xf32>,
        %parallel_loop3A_444 = arith.constant 8.000000e+00 : f32
        %parallel_loop3A_445 = vector.broadcast %parallel_loop3A_444 : f32 to vector<16xf32>
        %parallel_loop3A_446 = arith.mulf %parallel_loop3A_443, %parallel_loop3A_445 : vector<16xf32>
        tpu.vector_store_idx %arg12[%add3A_96, %select_n3A_150, %parallel_loop3A_428], %parallel_loop3A_446 : memref<8x8x129xf32, #tpu.memory_space<vmem>>[vector<16xi32>, vector<16xi32>, vector<16xi32>], vector<16xf32>,
        %parallel_loop3A_447 = arith.index_cast %parallel_loop3A_427 : i32 to index
        %parallel_loop3A_448 = arith.constant 48 : index
        %parallel_loop3A_449 = tpu.vector_load %arg8[%parallel_loop3A_447, %parallel_loop3A_448] {strides = array<i32>} : memref<128x64xf32, #tpu.memory_space<vmem>>, vector<16xf32>,
        %parallel_loop3A_450 = arith.constant 8.000000e+00 : f32
        %parallel_loop3A_451 = vector.broadcast %parallel_loop3A_450 : f32 to vector<16xf32>
        %parallel_loop3A_452 = arith.mulf %parallel_loop3A_449, %parallel_loop3A_451 : vector<16xf32>
        tpu.vector_store_idx %arg12[%add3A_130, %select_n3A_150, %parallel_loop3A_428], %parallel_loop3A_452 : memref<8x8x129xf32, #tpu.memory_space<vmem>>[vector<16xi32>, vector<16xi32>, vector<16xi32>], vector<16xf32>,
      } {sc.loop_unroll_factor = 4 : i64, sc.parallel_access}
      %add3A_359 = arith.constant 4 : i32
      %add3A_360 = arith.addi %add3A_344, %add3A_359 : i32
      %lt3A_361 = arith.constant 200 : i32
      %lt3A_362 = arith.cmpi slt, %add3A_360, %lt3A_361 : i32
      %convert_element_type3A_363 = arith.extui %lt3A_362 : i1 to i32
      %cond3A_364 = arith.constant 0 : i32
      %cond3A_365 = arith.cmpi ne, %convert_element_type3A_363, %cond3A_364 : i32
      scf.if %cond3A_365 {
        %add3A_427 = arith.constant 4 : i32
        %add3A_428 = arith.addi %add3A_344, %add3A_427 : i32
        %dma_start3A_429 = arith.constant 0 : i32
        %dma_start3A_430 = tpu.memref_slice %arg5[%add3A_428, %dma_start3A_429] : memref<200x128xi32, #tpu.memory_space<vmem>> -> memref<1x128xi32, #tpu.memory_space<vmem>>
        %dma_start3A_431 = tpu.memref_squeeze %dma_start3A_430 : memref<1x128xi32, #tpu.memory_space<vmem>> -> memref<128xi32, #tpu.memory_space<vmem>>
        %dma_start3A_432 = arith.constant 0 : i32
        %dma_start3A_433 = arith.constant 0 : i32
        %dma_start3A_434 = tpu.memref_slice %arg2[%dma_start3A_432, %dma_start3A_433] : memref<1000000x64xf32, #tpu.memory_space<hbm>> -> memref<1000000x64xf32, #tpu.memory_space<hbm>>
        tpu.enqueue_indirect_dma source(%dma_start3A_434 : memref<1000000x64xf32, #tpu.memory_space<hbm>>) target(%arg8 : memref<128x64xf32, #tpu.memory_space<vmem>>) offsets(%dma_start3A_431 : memref<128xi32, #tpu.memory_space<vmem>>) semaphore(%arg16 : memref<!tpu.dma_semaphore, #tpu.memory_space<semaphore_mem>>)
      } else {
      }
      %dma_start3A_366 = arith.constant 0 : i32
      %dma_start3A_367 = arith.constant 0 : i32
      %dma_start3A_368 = arith.constant 0 : i32
      %dma_start3A_369 = tpu.memref_slice %arg12[%dma_start3A_366, %dma_start3A_367, %dma_start3A_368] : memref<8x8x129xf32, #tpu.memory_space<vmem>> -> memref<8x8x128xf32, #tpu.memory_space<vmem>>
      %dma_start3A_370 = arith.constant 0 : i32
      %dma_start3A_371 = arith.constant 0 : i32
      %dma_start3A_372 = arith.constant 0 : i32
      %dma_start3A_373 = tpu.memref_slice %arg4[%add3A_344, %dma_start3A_370, %add3A, %dma_start3A_371, %dma_start3A_372] : memref<200x8x32x8x128xf32, #tpu.memory_space<hbm>> -> memref<1x8x1x8x128xf32, #tpu.memory_space<hbm>>
      %dma_start3A_374 = tpu.memref_squeeze %dma_start3A_373 : memref<1x8x1x8x128xf32, #tpu.memory_space<hbm>> -> memref<8x8x128xf32, #tpu.memory_space<hbm>>
      %dma_start3A_375 = arith.constant 0 : i32
      %dma_start3A_376 = arith.constant 0 : i32
      %dma_start3A_377 = arith.constant 0 : i32
      %dma_start3A_378 = tpu.memref_slice %arg4[%add3A_344, %dma_start3A_375, %add3A, %dma_start3A_376, %dma_start3A_377] : memref<200x8x32x8x128xf32, #tpu.memory_space<hbm>> -> memref<1x8x1x8x128xf32, #tpu.memory_space<hbm>>
      %dma_start3A_379 = tpu.memref_squeeze %dma_start3A_378 : memref<1x8x1x8x128xf32, #tpu.memory_space<hbm>> -> memref<8x8x128xf32, #tpu.memory_space<hbm>>
      %dma_start3A_380 = arith.constant 0 : i32
      %dma_start3A_381 = arith.constant 0 : i32
      %dma_start3A_382 = arith.constant 0 : i32
      %dma_start3A_383 = tpu.memref_slice %arg12[%dma_start3A_380, %dma_start3A_381, %dma_start3A_382] : memref<8x8x129xf32, #tpu.memory_space<vmem>> -> memref<8x8x128xf32, #tpu.memory_space<vmem>>
      tpu.enqueue_dma source(%dma_start3A_383 : memref<8x8x128xf32, #tpu.memory_space<vmem>>) target(%dma_start3A_379 : memref<8x8x128xf32, #tpu.memory_space<hbm>>) target_semaphore(%arg20 : memref<!tpu.dma_semaphore, #tpu.memory_space<semaphore_mem>>)
      %mul3A_384 = arith.constant 4 : i32
      %mul3A_385 = arith.muli %scan3A_258, %mul3A_384 : i32
      %add3A_386 = arith.constant 3 : i32
      %add3A_387 = arith.addi %mul3A_385, %add3A_386 : i32
      %dma_wait3A_388 = arith.constant 0 : i32
      %dma_wait3A_389 = tpu.memref_slice %arg5[%add3A_387, %dma_wait3A_388] : memref<200x128xi32, #tpu.memory_space<vmem>> -> memref<1x128xi32, #tpu.memory_space<vmem>>
      %dma_wait3A_390 = tpu.memref_squeeze %dma_wait3A_389 : memref<1x128xi32, #tpu.memory_space<vmem>> -> memref<128xi32, #tpu.memory_space<vmem>>
      %dma_wait3A_391 = arith.constant 0 : i32
      %dma_wait3A_392 = arith.constant 0 : i32
      %dma_wait3A_393 = tpu.memref_slice %arg2[%dma_wait3A_391, %dma_wait3A_392] : memref<1000000x64xf32, #tpu.memory_space<hbm>> -> memref<1000000x64xf32, #tpu.memory_space<hbm>>
      tpu.wait_indirect_dma semaphore(%arg17 : memref<!tpu.dma_semaphore, #tpu.memory_space<semaphore_mem>>) src(%dma_wait3A_393 : memref<1000000x64xf32, #tpu.memory_space<hbm>>) dst(%arg9 : memref<128x64xf32, #tpu.memory_space<vmem>>)
      %ge3A_394 = arith.constant 4 : i32
      %ge3A_395 = arith.cmpi sge, %add3A_387, %ge3A_394 : i32
      %convert_element_type3A_396 = arith.extui %ge3A_395 : i1 to i32
      %cond3A_397 = arith.constant 0 : i32
      %cond3A_398 = arith.cmpi ne, %convert_element_type3A_396, %cond3A_397 : i32
      scf.if %cond3A_398 {
        %sub3A_427 = arith.constant 4 : i32
        %sub3A_428 = arith.subi %add3A_387, %sub3A_427 : i32
        %dma_wait3A_429 = arith.constant 0 : i32
        %dma_wait3A_430 = arith.constant 0 : i32
        %dma_wait3A_431 = arith.constant 0 : i32
        %dma_wait3A_432 = tpu.memref_slice %arg13[%dma_wait3A_429, %dma_wait3A_430, %dma_wait3A_431] : memref<8x8x129xf32, #tpu.memory_space<vmem>> -> memref<8x8x128xf32, #tpu.memory_space<vmem>>
        %dma_wait3A_433 = arith.constant 0 : i32
        %dma_wait3A_434 = arith.constant 0 : i32
        %dma_wait3A_435 = arith.constant 0 : i32
        %dma_wait3A_436 = tpu.memref_slice %arg4[%sub3A_428, %dma_wait3A_433, %add3A, %dma_wait3A_434, %dma_wait3A_435] : memref<200x8x32x8x128xf32, #tpu.memory_space<hbm>> -> memref<1x8x1x8x128xf32, #tpu.memory_space<hbm>>
        %dma_wait3A_437 = tpu.memref_squeeze %dma_wait3A_436 : memref<1x8x1x8x128xf32, #tpu.memory_space<hbm>> -> memref<8x8x128xf32, #tpu.memory_space<hbm>>
        %dma_wait3A_438 = arith.constant 0 : i32
        %dma_wait3A_439 = arith.constant 0 : i32
        %dma_wait3A_440 = arith.constant 0 : i32
        %dma_wait3A_441 = tpu.memref_slice %arg4[%sub3A_428, %dma_wait3A_438, %add3A, %dma_wait3A_439, %dma_wait3A_440] : memref<200x8x32x8x128xf32, #tpu.memory_space<hbm>> -> memref<1x8x1x8x128xf32, #tpu.memory_space<hbm>>
        %dma_wait3A_442 = tpu.memref_squeeze %dma_wait3A_441 : memref<1x8x1x8x128xf32, #tpu.memory_space<hbm>> -> memref<8x8x128xf32, #tpu.memory_space<hbm>>
        %dma_wait3A_443 = arith.constant 0 : i32
        %dma_wait3A_444 = arith.constant 0 : i32
        %dma_wait3A_445 = arith.constant 0 : i32
        %dma_wait3A_446 = tpu.memref_slice %arg13[%dma_wait3A_443, %dma_wait3A_444, %dma_wait3A_445] : memref<8x8x129xf32, #tpu.memory_space<vmem>> -> memref<8x8x128xf32, #tpu.memory_space<vmem>>
        tpu.wait_dma2 semaphore(%arg21 : memref<!tpu.dma_semaphore, #tpu.memory_space<semaphore_mem>>) src(%dma_wait3A_446 : memref<8x8x128xf32, #tpu.memory_space<vmem>>) dst(%dma_wait3A_442 : memref<8x8x128xf32, #tpu.memory_space<hbm>>)
      } else {
      }
      %parallel_loop3A_399 = arith.constant 0 : i32
      %parallel_loop3A_400 = arith.constant 128 : i32
      %parallel_loop3A_401 = arith.constant 1 : i32
      scf.for %parallel_loop3A_427 = %parallel_loop3A_399 to %parallel_loop3A_400 step %parallel_loop3A_401  : i32 {
        %parallel_loop3A_428 = vector.broadcast %parallel_loop3A_427 : i32 to vector<16xi32>
        %parallel_loop3A_429 = arith.index_cast %parallel_loop3A_427 : i32 to index
        %parallel_loop3A_430 = arith.constant 0 : index
        %parallel_loop3A_431 = tpu.vector_load %arg9[%parallel_loop3A_429, %parallel_loop3A_430] {strides = array<i32>} : memref<128x64xf32, #tpu.memory_space<vmem>>, vector<16xf32>,
        %parallel_loop3A_432 = arith.constant 8.000000e+00 : f32
        %parallel_loop3A_433 = vector.broadcast %parallel_loop3A_432 : f32 to vector<16xf32>
        %parallel_loop3A_434 = arith.mulf %parallel_loop3A_431, %parallel_loop3A_433 : vector<16xf32>
        tpu.vector_store_idx %arg13[%add3A_28, %select_n3A_150, %parallel_loop3A_428], %parallel_loop3A_434 : memref<8x8x129xf32, #tpu.memory_space<vmem>>[vector<16xi32>, vector<16xi32>, vector<16xi32>], vector<16xf32>,
        %parallel_loop3A_435 = arith.index_cast %parallel_loop3A_427 : i32 to index
        %parallel_loop3A_436 = arith.constant 16 : index
        %parallel_loop3A_437 = tpu.vector_load %arg9[%parallel_loop3A_435, %parallel_loop3A_436] {strides = array<i32>} : memref<128x64xf32, #tpu.memory_space<vmem>>, vector<16xf32>,
        %parallel_loop3A_438 = arith.constant 8.000000e+00 : f32
        %parallel_loop3A_439 = vector.broadcast %parallel_loop3A_438 : f32 to vector<16xf32>
        %parallel_loop3A_440 = arith.mulf %parallel_loop3A_437, %parallel_loop3A_439 : vector<16xf32>
        tpu.vector_store_idx %arg13[%add3A_62, %select_n3A_150, %parallel_loop3A_428], %parallel_loop3A_440 : memref<8x8x129xf32, #tpu.memory_space<vmem>>[vector<16xi32>, vector<16xi32>, vector<16xi32>], vector<16xf32>,
        %parallel_loop3A_441 = arith.index_cast %parallel_loop3A_427 : i32 to index
        %parallel_loop3A_442 = arith.constant 32 : index
        %parallel_loop3A_443 = tpu.vector_load %arg9[%parallel_loop3A_441, %parallel_loop3A_442] {strides = array<i32>} : memref<128x64xf32, #tpu.memory_space<vmem>>, vector<16xf32>,
        %parallel_loop3A_444 = arith.constant 8.000000e+00 : f32
        %parallel_loop3A_445 = vector.broadcast %parallel_loop3A_444 : f32 to vector<16xf32>
        %parallel_loop3A_446 = arith.mulf %parallel_loop3A_443, %parallel_loop3A_445 : vector<16xf32>
        tpu.vector_store_idx %arg13[%add3A_96, %select_n3A_150, %parallel_loop3A_428], %parallel_loop3A_446 : memref<8x8x129xf32, #tpu.memory_space<vmem>>[vector<16xi32>, vector<16xi32>, vector<16xi32>], vector<16xf32>,
        %parallel_loop3A_447 = arith.index_cast %parallel_loop3A_427 : i32 to index
        %parallel_loop3A_448 = arith.constant 48 : index
        %parallel_loop3A_449 = tpu.vector_load %arg9[%parallel_loop3A_447, %parallel_loop3A_448] {strides = array<i32>} : memref<128x64xf32, #tpu.memory_space<vmem>>, vector<16xf32>,
        %parallel_loop3A_450 = arith.constant 8.000000e+00 : f32
        %parallel_loop3A_451 = vector.broadcast %parallel_loop3A_450 : f32 to vector<16xf32>
        %parallel_loop3A_452 = arith.mulf %parallel_loop3A_449, %parallel_loop3A_451 : vector<16xf32>
        tpu.vector_store_idx %arg13[%add3A_130, %select_n3A_150, %parallel_loop3A_428], %parallel_loop3A_452 : memref<8x8x129xf32, #tpu.memory_space<vmem>>[vector<16xi32>, vector<16xi32>, vector<16xi32>], vector<16xf32>,
      } {sc.loop_unroll_factor = 4 : i64, sc.parallel_access}
      %add3A_402 = arith.constant 4 : i32
      %add3A_403 = arith.addi %add3A_387, %add3A_402 : i32
      %lt3A_404 = arith.constant 200 : i32
      %lt3A_405 = arith.cmpi slt, %add3A_403, %lt3A_404 : i32
      %convert_element_type3A_406 = arith.extui %lt3A_405 : i1 to i32
      %cond3A_407 = arith.constant 0 : i32
      %cond3A_408 = arith.cmpi ne, %convert_element_type3A_406, %cond3A_407 : i32
      scf.if %cond3A_408 {
        %add3A_427 = arith.constant 4 : i32
        %add3A_428 = arith.addi %add3A_387, %add3A_427 : i32
        %dma_start3A_429 = arith.constant 0 : i32
        %dma_start3A_430 = tpu.memref_slice %arg5[%add3A_428, %dma_start3A_429] : memref<200x128xi32, #tpu.memory_space<vmem>> -> memref<1x128xi32, #tpu.memory_space<vmem>>
        %dma_start3A_431 = tpu.memref_squeeze %dma_start3A_430 : memref<1x128xi32, #tpu.memory_space<vmem>> -> memref<128xi32, #tpu.memory_space<vmem>>
        %dma_start3A_432 = arith.constant 0 : i32
        %dma_start3A_433 = arith.constant 0 : i32
        %dma_start3A_434 = tpu.memref_slice %arg2[%dma_start3A_432, %dma_start3A_433] : memref<1000000x64xf32, #tpu.memory_space<hbm>> -> memref<1000000x64xf32, #tpu.memory_space<hbm>>
        tpu.enqueue_indirect_dma source(%dma_start3A_434 : memref<1000000x64xf32, #tpu.memory_space<hbm>>) target(%arg9 : memref<128x64xf32, #tpu.memory_space<vmem>>) offsets(%dma_start3A_431 : memref<128xi32, #tpu.memory_space<vmem>>) semaphore(%arg17 : memref<!tpu.dma_semaphore, #tpu.memory_space<semaphore_mem>>)
      } else {
      }
      %dma_start3A_409 = arith.constant 0 : i32
      %dma_start3A_410 = arith.constant 0 : i32
      %dma_start3A_411 = arith.constant 0 : i32
      %dma_start3A_412 = tpu.memref_slice %arg13[%dma_start3A_409, %dma_start3A_410, %dma_start3A_411] : memref<8x8x129xf32, #tpu.memory_space<vmem>> -> memref<8x8x128xf32, #tpu.memory_space<vmem>>
      %dma_start3A_413 = arith.constant 0 : i32
      %dma_start3A_414 = arith.constant 0 : i32
      %dma_start3A_415 = arith.constant 0 : i32
      %dma_start3A_416 = tpu.memref_slice %arg4[%add3A_387, %dma_start3A_413, %add3A, %dma_start3A_414, %dma_start3A_415] : memref<200x8x32x8x128xf32, #tpu.memory_space<hbm>> -> memref<1x8x1x8x128xf32, #tpu.memory_space<hbm>>
      %dma_start3A_417 = tpu.memref_squeeze %dma_start3A_416 : memref<1x8x1x8x128xf32, #tpu.memory_space<hbm>> -> memref<8x8x128xf32, #tpu.memory_space<hbm>>
      %dma_start3A_418 = arith.constant 0 : i32
      %dma_start3A_419 = arith.constant 0 : i32
      %dma_start3A_420 = arith.constant 0 : i32
      %dma_start3A_421 = tpu.memref_slice %arg4[%add3A_387, %dma_start3A_418, %add3A, %dma_start3A_419, %dma_start3A_420] : memref<200x8x32x8x128xf32, #tpu.memory_space<hbm>> -> memref<1x8x1x8x128xf32, #tpu.memory_space<hbm>>
      %dma_start3A_422 = tpu.memref_squeeze %dma_start3A_421 : memref<1x8x1x8x128xf32, #tpu.memory_space<hbm>> -> memref<8x8x128xf32, #tpu.memory_space<hbm>>
      %dma_start3A_423 = arith.constant 0 : i32
      %dma_start3A_424 = arith.constant 0 : i32
      %dma_start3A_425 = arith.constant 0 : i32
      %dma_start3A_426 = tpu.memref_slice %arg13[%dma_start3A_423, %dma_start3A_424, %dma_start3A_425] : memref<8x8x129xf32, #tpu.memory_space<vmem>> -> memref<8x8x128xf32, #tpu.memory_space<vmem>>
      tpu.enqueue_dma source(%dma_start3A_426 : memref<8x8x128xf32, #tpu.memory_space<vmem>>) target(%dma_start3A_422 : memref<8x8x128xf32, #tpu.memory_space<hbm>>) target_semaphore(%arg21 : memref<!tpu.dma_semaphore, #tpu.memory_space<semaphore_mem>>)
    }
    %scan3A_182 = arith.constant 50 : i32
    %dma_wait3A = arith.constant 196 : i32
    %dma_wait3A_183 = arith.constant 0 : i32
    %dma_wait3A_184 = arith.constant 0 : i32
    %dma_wait3A_185 = arith.constant 0 : i32
    %dma_wait3A_186 = tpu.memref_slice %arg10[%dma_wait3A_183, %dma_wait3A_184, %dma_wait3A_185] : memref<8x8x129xf32, #tpu.memory_space<vmem>> -> memref<8x8x128xf32, #tpu.memory_space<vmem>>
    %dma_wait3A_187 = arith.constant 0 : i32
    %dma_wait3A_188 = arith.constant 0 : i32
    %dma_wait3A_189 = arith.constant 0 : i32
    %dma_wait3A_190 = tpu.memref_slice %arg4[%dma_wait3A, %dma_wait3A_187, %add3A, %dma_wait3A_188, %dma_wait3A_189] : memref<200x8x32x8x128xf32, #tpu.memory_space<hbm>> -> memref<1x8x1x8x128xf32, #tpu.memory_space<hbm>>
    %dma_wait3A_191 = tpu.memref_squeeze %dma_wait3A_190 : memref<1x8x1x8x128xf32, #tpu.memory_space<hbm>> -> memref<8x8x128xf32, #tpu.memory_space<hbm>>
    %dma_wait3A_192 = arith.constant 0 : i32
    %dma_wait3A_193 = arith.constant 0 : i32
    %dma_wait3A_194 = arith.constant 0 : i32
    %dma_wait3A_195 = tpu.memref_slice %arg4[%dma_wait3A, %dma_wait3A_192, %add3A, %dma_wait3A_193, %dma_wait3A_194] : memref<200x8x32x8x128xf32, #tpu.memory_space<hbm>> -> memref<1x8x1x8x128xf32, #tpu.memory_space<hbm>>
    %dma_wait3A_196 = tpu.memref_squeeze %dma_wait3A_195 : memref<1x8x1x8x128xf32, #tpu.memory_space<hbm>> -> memref<8x8x128xf32, #tpu.memory_space<hbm>>
    %dma_wait3A_197 = arith.constant 0 : i32
    %dma_wait3A_198 = arith.constant 0 : i32
    %dma_wait3A_199 = arith.constant 0 : i32
    %dma_wait3A_200 = tpu.memref_slice %arg10[%dma_wait3A_197, %dma_wait3A_198, %dma_wait3A_199] : memref<8x8x129xf32, #tpu.memory_space<vmem>> -> memref<8x8x128xf32, #tpu.memory_space<vmem>>
    tpu.wait_dma2 semaphore(%arg18 : memref<!tpu.dma_semaphore, #tpu.memory_space<semaphore_mem>>) src(%dma_wait3A_200 : memref<8x8x128xf32, #tpu.memory_space<vmem>>) dst(%dma_wait3A_196 : memref<8x8x128xf32, #tpu.memory_space<hbm>>)
    %dma_wait3A_201 = arith.constant 197 : i32
    %dma_wait3A_202 = arith.constant 0 : i32
    %dma_wait3A_203 = arith.constant 0 : i32
    %dma_wait3A_204 = arith.constant 0 : i32
    %dma_wait3A_205 = tpu.memref_slice %arg11[%dma_wait3A_202, %dma_wait3A_203, %dma_wait3A_204] : memref<8x8x129xf32, #tpu.memory_space<vmem>> -> memref<8x8x128xf32, #tpu.memory_space<vmem>>
    %dma_wait3A_206 = arith.constant 0 : i32
    %dma_wait3A_207 = arith.constant 0 : i32
    %dma_wait3A_208 = arith.constant 0 : i32
    %dma_wait3A_209 = tpu.memref_slice %arg4[%dma_wait3A_201, %dma_wait3A_206, %add3A, %dma_wait3A_207, %dma_wait3A_208] : memref<200x8x32x8x128xf32, #tpu.memory_space<hbm>> -> memref<1x8x1x8x128xf32, #tpu.memory_space<hbm>>
    %dma_wait3A_210 = tpu.memref_squeeze %dma_wait3A_209 : memref<1x8x1x8x128xf32, #tpu.memory_space<hbm>> -> memref<8x8x128xf32, #tpu.memory_space<hbm>>
    %dma_wait3A_211 = arith.constant 0 : i32
    %dma_wait3A_212 = arith.constant 0 : i32
    %dma_wait3A_213 = arith.constant 0 : i32
    %dma_wait3A_214 = tpu.memref_slice %arg4[%dma_wait3A_201, %dma_wait3A_211, %add3A, %dma_wait3A_212, %dma_wait3A_213] : memref<200x8x32x8x128xf32, #tpu.memory_space<hbm>> -> memref<1x8x1x8x128xf32, #tpu.memory_space<hbm>>
    %dma_wait3A_215 = tpu.memref_squeeze %dma_wait3A_214 : memref<1x8x1x8x128xf32, #tpu.memory_space<hbm>> -> memref<8x8x128xf32, #tpu.memory_space<hbm>>
    %dma_wait3A_216 = arith.constant 0 : i32
    %dma_wait3A_217 = arith.constant 0 : i32
    %dma_wait3A_218 = arith.constant 0 : i32
    %dma_wait3A_219 = tpu.memref_slice %arg11[%dma_wait3A_216, %dma_wait3A_217, %dma_wait3A_218] : memref<8x8x129xf32, #tpu.memory_space<vmem>> -> memref<8x8x128xf32, #tpu.memory_space<vmem>>
    tpu.wait_dma2 semaphore(%arg19 : memref<!tpu.dma_semaphore, #tpu.memory_space<semaphore_mem>>) src(%dma_wait3A_219 : memref<8x8x128xf32, #tpu.memory_space<vmem>>) dst(%dma_wait3A_215 : memref<8x8x128xf32, #tpu.memory_space<hbm>>)
    %dma_wait3A_220 = arith.constant 198 : i32
    %dma_wait3A_221 = arith.constant 0 : i32
    %dma_wait3A_222 = arith.constant 0 : i32
    %dma_wait3A_223 = arith.constant 0 : i32
    %dma_wait3A_224 = tpu.memref_slice %arg12[%dma_wait3A_221, %dma_wait3A_222, %dma_wait3A_223] : memref<8x8x129xf32, #tpu.memory_space<vmem>> -> memref<8x8x128xf32, #tpu.memory_space<vmem>>
    %dma_wait3A_225 = arith.constant 0 : i32
    %dma_wait3A_226 = arith.constant 0 : i32
    %dma_wait3A_227 = arith.constant 0 : i32
    %dma_wait3A_228 = tpu.memref_slice %arg4[%dma_wait3A_220, %dma_wait3A_225, %add3A, %dma_wait3A_226, %dma_wait3A_227] : memref<200x8x32x8x128xf32, #tpu.memory_space<hbm>> -> memref<1x8x1x8x128xf32, #tpu.memory_space<hbm>>
    %dma_wait3A_229 = tpu.memref_squeeze %dma_wait3A_228 : memref<1x8x1x8x128xf32, #tpu.memory_space<hbm>> -> memref<8x8x128xf32, #tpu.memory_space<hbm>>
    %dma_wait3A_230 = arith.constant 0 : i32
    %dma_wait3A_231 = arith.constant 0 : i32
    %dma_wait3A_232 = arith.constant 0 : i32
    %dma_wait3A_233 = tpu.memref_slice %arg4[%dma_wait3A_220, %dma_wait3A_230, %add3A, %dma_wait3A_231, %dma_wait3A_232] : memref<200x8x32x8x128xf32, #tpu.memory_space<hbm>> -> memref<1x8x1x8x128xf32, #tpu.memory_space<hbm>>
    %dma_wait3A_234 = tpu.memref_squeeze %dma_wait3A_233 : memref<1x8x1x8x128xf32, #tpu.memory_space<hbm>> -> memref<8x8x128xf32, #tpu.memory_space<hbm>>
    %dma_wait3A_235 = arith.constant 0 : i32
    %dma_wait3A_236 = arith.constant 0 : i32
    %dma_wait3A_237 = arith.constant 0 : i32
    %dma_wait3A_238 = tpu.memref_slice %arg12[%dma_wait3A_235, %dma_wait3A_236, %dma_wait3A_237] : memref<8x8x129xf32, #tpu.memory_space<vmem>> -> memref<8x8x128xf32, #tpu.memory_space<vmem>>
    tpu.wait_dma2 semaphore(%arg20 : memref<!tpu.dma_semaphore, #tpu.memory_space<semaphore_mem>>) src(%dma_wait3A_238 : memref<8x8x128xf32, #tpu.memory_space<vmem>>) dst(%dma_wait3A_234 : memref<8x8x128xf32, #tpu.memory_space<hbm>>)
    %dma_wait3A_239 = arith.constant 199 : i32
    %dma_wait3A_240 = arith.constant 0 : i32
    %dma_wait3A_241 = arith.constant 0 : i32
    %dma_wait3A_242 = arith.constant 0 : i32
    %dma_wait3A_243 = tpu.memref_slice %arg13[%dma_wait3A_240, %dma_wait3A_241, %dma_wait3A_242] : memref<8x8x129xf32, #tpu.memory_space<vmem>> -> memref<8x8x128xf32, #tpu.memory_space<vmem>>
    %dma_wait3A_244 = arith.constant 0 : i32
    %dma_wait3A_245 = arith.constant 0 : i32
    %dma_wait3A_246 = arith.constant 0 : i32
    %dma_wait3A_247 = tpu.memref_slice %arg4[%dma_wait3A_239, %dma_wait3A_244, %add3A, %dma_wait3A_245, %dma_wait3A_246] : memref<200x8x32x8x128xf32, #tpu.memory_space<hbm>> -> memref<1x8x1x8x128xf32, #tpu.memory_space<hbm>>
    %dma_wait3A_248 = tpu.memref_squeeze %dma_wait3A_247 : memref<1x8x1x8x128xf32, #tpu.memory_space<hbm>> -> memref<8x8x128xf32, #tpu.memory_space<hbm>>
    %dma_wait3A_249 = arith.constant 0 : i32
    %dma_wait3A_250 = arith.constant 0 : i32
    %dma_wait3A_251 = arith.constant 0 : i32
    %dma_wait3A_252 = tpu.memref_slice %arg4[%dma_wait3A_239, %dma_wait3A_249, %add3A, %dma_wait3A_250, %dma_wait3A_251] : memref<200x8x32x8x128xf32, #tpu.memory_space<hbm>> -> memref<1x8x1x8x128xf32, #tpu.memory_space<hbm>>
    %dma_wait3A_253 = tpu.memref_squeeze %dma_wait3A_252 : memref<1x8x1x8x128xf32, #tpu.memory_space<hbm>> -> memref<8x8x128xf32, #tpu.memory_space<hbm>>
    %dma_wait3A_254 = arith.constant 0 : i32
    %dma_wait3A_255 = arith.constant 0 : i32
    %dma_wait3A_256 = arith.constant 0 : i32
    %dma_wait3A_257 = tpu.memref_slice %arg13[%dma_wait3A_254, %dma_wait3A_255, %dma_wait3A_256] : memref<8x8x129xf32, #tpu.memory_space<vmem>> -> memref<8x8x128xf32, #tpu.memory_space<vmem>>
    tpu.wait_dma2 semaphore(%arg21 : memref<!tpu.dma_semaphore, #tpu.memory_space<semaphore_mem>>) src(%dma_wait3A_257 : memref<8x8x128xf32, #tpu.memory_space<vmem>>) dst(%dma_wait3A_253 : memref<8x8x128xf32, #tpu.memory_space<hbm>>)
    return
  }
}

</mosaic_0001>

<sc_bundles>
// kernel: kernel.3.cloned.1.call-start
scs
__scs_entry_jumppad:
0x0: {  	(pc) =	sbr.rel $0x88, $3  }
0x1: {  	(tag) =	ssettag $0x0;
	lr =	simm.s32 $0x1  }
0x2: {  	[smem:$0x3F9F] =	sst lr;
	_ =	strace $0xD0000000  }
0x3: {  	_ = 	snop  }
0x4: {  	_ = 	snop  }
0x5: {  	_ = 	snop  }
0x6: {  	_ = 	snop  }
0x7: {  	_ = 	snop  }
__scs_overlays_trampoline_lowered:
0x8: {  	[smem:$0x3FAE] =	sst s0  }
0x9: {  	[smem:$0x3FAF] =	sst s1  }
0xa: {  	[smem:$0x3FB0] =	sst s2  }
0xb: {  	[smem:$0x3FB1] =	sst s3  }
0xc: {  	[smem:$0x3FB2] =	sst s4  }
0xd: {  	[smem:$0x3FB3] =	sst s5  }
0xe: {  	[smem:$0x3FB4] =	sst s6  }
0xf: {  	[smem:$0x3FB5] =	sst s7  }
0x10: {  	[smem:$0x3FB6] =	sst s8  }
0x11: {  	[smem:$0x3FB7] =	sst s9;
	s0 =	simm.s32 @!p0 $0x0  }
0x12: {  	s1 =	sld [smem:$0x3F9D];
	s0 =	simm.s32 @p0 $0x1  }
0x13: {  	[smem:$0x3FB8] =	sst s0;
	s0 =	simm.s32 @!p1 $0x0  }
0x14: {  	s2 =	sld [smem:$0x3F9C];
	s0 =	simm.s32 @p1 $0x1  }
0x15: {  	[smem:$0x3FB9] =	sst s0;
	s0 =	simm.s32 @!p2 $0x0  }
0x16: {  	s3 =	sld [smem:$0x3FDB];
	s0 =	simm.s32 @p2 $0x1  }
0x17: {  	s4 =	simm.s32 $0x1BF5;
	[smem:$0x3FBB] =	sst s0  }
0x18: {  	s0 =	sld [smem:$0x3F9E];
	_ =	swait.ge [sflag:s4], $0x0  }
0x19: {  	s7 =	sld [smem:$0x3F9F]  }
0x1a: {  	s8 =	sadd.s32 $0xFFFFE003, lr  }
0x1b: {  	s9 =	sadd.s32 $0xFFFFFEF7, lr;
	s5 =	simm.s32 $0xFFFFFFFF;
	p2 =	slt.u32 s8, $0xFFFFF086  }
0x1c: {  	p1 =	slt.u32 s9, $0xF7A;
	s5 =	simm.s32 @!p2 $0x0  }
0x1d: {  	s5 =	simm.s32 @p1 $0x1;
	p0 =	seq.s32 s7, s2  }
0x1e: {  	s7 =	smul.u32 @!p0 $0xF7A, s2;
	p2 =	seq.s32 @!p0 s5, $0x0  }
0x1f: {  	s9 =	smul.u32 $0xF7A, s1;
	s8 =	simm.s32 @!p0 $0x1BF5;
	p2 =	por !p2, p0  }
0x20: {  	[sflag:s8] =	ssyncset.s32 @!p0 $0xFFFFF086;
	s6 =	sadd.s32 @!p0 s3, s7;
	s7 =	simm.s32 @!p0 $0x108  }
0x21: {  	s3 =	sadd.s32 s3, s9;
	s6 =	sadd.s32 @!p0 $0x88, s6;
	s7 =	simm.s32 @p2 $0x1082  }
0x22: {  	[simem:s7], [sflag:s8] =	dma.local @!p0 [hbm:s6], $0xF7A  }
0x23: {  	s9 =	sor.u32 $0xD0000000, s2;
	s6 =	simm.s32 $0x108;
	_ =	swait.ge @!p0 [sflag:s8], $0x0  }
0x24: {  	s3 =	sadd.s32 $0x88, s3;
	s6 =	simm.s32 @!p1 $0x1082;
	[sflag:s4] =	ssyncset.s32 $0xFFFFF086  }
0x25: {  	[simem:s6], [sflag:s4] =	dma.local [hbm:s3], $0xF7A  }
0x26: {  	[smem:$0x3F9F] =	sst s1;
	(tag) =	ssettag s2;
	_ =	strace s9  }
0x27: {  	s1 =	sld [smem:$0x3FAF]  }
0x28: {  	s2 =	sld [smem:$0x3FB0]  }
0x29: {  	s4 =	sld [smem:$0x3FB2]  }
0x2a: {  	p0 =	seq.s32 s5, $0x0;
	s5 =	sld [smem:$0x3FB3]  }
0x2b: {  	s6 =	sld [smem:$0x3FB4]  }
0x2c: {  	s7 =	sld [smem:$0x3FB5]  }
0x2d: {  	s3 =	simm.s32 $0x108;
	s8 =	sld [smem:$0x3FB6]  }
0x2e: {  	s3 =	simm.s32 @!p0 $0x1082;
	s9 =	sld [smem:$0x3FB7]  }
0x2f: {  	lr =	sadd.s32 s0, s3;
	s0 =	sld [smem:$0x3FAE]  }
0x30: {  	s3 =	sld [smem:$0x3FB1]  }
0x31: {  	[smem:$0x3FBA] =	sst s10  }
0x32: {  	s10 =	sld [smem:$0x3FB8];
	_ =	sdelay $0x3  }
0x33: {  	p0 =	seq.s32 s10, $0x1;
	s10 =	sld [smem:$0x3FBA];
	_ =	sdelay $0x3  }
0x34: {  	[smem:$0x3FBA] =	sst s10  }
0x35: {  	s10 =	sld [smem:$0x3FB9];
	_ =	sdelay $0x3  }
0x36: {  	p1 =	seq.s32 s10, $0x1;
	s10 =	sld [smem:$0x3FBA];
	_ =	sdelay $0x3  }
0x37: {  	[smem:$0x3FBA] =	sst s10  }
0x38: {  	s10 =	sld [smem:$0x3FBB]  }
0x39: {  	_ = 	snop;
	(pc) =	sbr.ind lr, $3  }
0x3a: {  	_ = 	snop  }
0x3b: {  	_ = 	snop  }
0x3c: {  	p2 =	seq.s32 s10, $0x1;
	s10 =	sld [smem:$0x3FBA]  }
0x3d: {  	_ =	shalt  }
0x3e: {  	_ =	shalt  }
0x3f: {  	_ =	shalt  }
0x40: {  	_ =	shalt  }
0x41: {  	_ =	shalt  }
0x42: {  	_ =	shalt  }
0x43: {  	_ =	shalt  }
0x44: {  	_ =	shalt  }
0x45: {  	_ =	shalt  }
0x46: {  	_ =	shalt  }
0x47: {  	_ =	shalt  }
0x48: {  	_ =	shalt  }
0x49: {  	_ =	shalt  }
0x4a: {  	_ =	shalt  }
0x4b: {  	_ =	shalt  }
0x4c: {  	_ =	shalt  }
0x4d: {  	_ =	shalt  }
0x4e: {  	_ =	shalt  }
0x4f: {  	_ =	shalt  }
0x50: {  	_ =	shalt  }
0x51: {  	_ =	shalt  }
0x52: {  	_ =	shalt  }
0x53: {  	_ =	shalt  }
0x54: {  	_ =	shalt  }
0x55: {  	_ =	shalt  }
0x56: {  	_ =	shalt  }
0x57: {  	_ =	shalt  }
0x58: {  	_ =	shalt  }
0x59: {  	_ =	shalt  }
0x5a: {  	_ =	shalt  }
0x5b: {  	_ =	shalt  }
0x5c: {  	_ =	shalt  }
0x5d: {  	_ =	shalt  }
0x5e: {  	_ =	shalt  }
0x5f: {  	_ =	shalt  }
0x60: {  	_ =	shalt  }
0x61: {  	_ =	shalt  }
0x62: {  	_ =	shalt  }
0x63: {  	_ =	shalt  }
0x64: {  	_ =	shalt  }
0x65: {  	_ =	shalt  }
0x66: {  	_ =	shalt  }
0x67: {  	_ =	shalt  }
0x68: {  	_ =	shalt  }
0x69: {  	_ =	shalt  }
0x6a: {  	_ =	shalt  }
0x6b: {  	_ =	shalt  }
0x6c: {  	_ =	shalt  }
0x6d: {  	_ =	shalt  }
0x6e: {  	_ =	shalt  }
0x6f: {  	_ =	shalt  }
0x70: {  	_ =	shalt  }
0x71: {  	_ =	shalt  }
0x72: {  	_ =	shalt  }
0x73: {  	_ =	shalt  }
0x74: {  	_ =	shalt  }
0x75: {  	_ =	shalt  }
0x76: {  	_ =	shalt  }
0x77: {  	_ =	shalt  }
0x78: {  	_ =	shalt  }
0x79: {  	_ =	shalt  }
0x7a: {  	_ =	shalt  }
0x7b: {  	_ =	shalt  }
0x7c: {  	_ =	shalt  }
0x7d: {  	_ =	shalt  }
0x7e: {  	_ =	shalt  }
0x7f: {  	_ =	shalt  }
0x80: {  	_ =	shalt  }
0x81: {  	_ =	shalt  }
0x82: {  	_ =	shalt  }
0x83: {  	_ =	shalt  }
0x84: {  	_ =	shalt  }
0x85: {  	_ =	shalt  }
0x86: {  	_ =	shalt  }
0x87: {  	_ =	shalt  }
.Lfunc_end0:
.L_simem_size_0:
called_computation_lowered:
.L_overlay_start_0:
0x88: {  	s2 =	sld [smem:$0x3FD9]  }
0x89: {  	s3 =	sld [smem:$0x3FFE];
	_ =	sdelay $0x1  }
0x8a: {  	s1 =	srdreg.scid  }
0x8b: {  	s0 =	sand.u32 $0x1, s1  }
0x8c: {  	s17 =	sshll.u32 s0, $0xA;
	s2 =	sadd.s32 s3, s2  }
0x8d: {  	s2 =	sadd.s32 s2, s17  }
0x8e: {  	[smem:$0x3FC6] =	sst s2  }
0x8f: {  	_ = 	snop  }
0x90: {  	s2 =	sld [smem:$0x3FD0];
	(tm) =	ssettm $0x1  }
0x91: {  	s18 =	sld [smem:$0x3FFB];
	_ =	sdelay $0x3  }
0x92: {  	_ =	strace s18  }
0x93: {  	s3 =	sld [smem:$0x3FFC];
	_ =	sdelay $0x3  }
0x94: {  	_ =	strace s3  }
0x95: {  	s3 =	sld [smem:$0x3FFD];
	_ =	sdelay $0x3  }
0x96: {  	_ =	strace s3  }
0x97: {  	_ =	strace $0x8FFFFFFF  }
0x98: {  	s19 =	sld [smem:$0x3FDB];
	_ =	sdelay $0x1  }
0x99: {  	s4 =	simm.s32 $_scs_section_size  }
0x9a: {  	s5 =	simm.s32 $_size__tile_overlayer_lowered;
	s6 =	simm.s32 $_tile_overlayer_lowered  }
0x9b: {  	s22 =	simm.s32 $0x1BFF;
	s21 =	sshll.u32 s6, $0x1;
	s3 =	sadd.s32 s4, s19  }
0x9c: {  	s7 =	simm.s32 $0x0;
	s20 =	sshll.u32 s5, $0x1;
	s5 =	sadd.s32 s21, s3  }
0x9d: {  	[timem:s7], [sflag:s22] =	dma.local [hbm:s5], s20  }
0x9e: {  	_ =	swait.ge [sflag:s22], s20  }
0x9f: {  	s4 =	ssub.s32 $0x0, s20;
	[sflag:s22] =	ssyncset.done $0x0  }
0xa0: {  	[sflag:s22] =	ssyncadd.s32 s4;
	_ =	sdelay $0x1  }
0xa1: {  	s23 =	simm.s32 $0x1B8B  }
0xa2: {  	_ =	swait.ge [sflag:s23], $0x1  }
0xa3: {  	[sflag:s23] =	ssyncset.done $0x0  }
0xa4: {  	s25 =	simm.s32 $0x1B8E;
	s24 =	sld [smem:$0x3FFE];
	[sflag:s23] =	ssyncadd.s32 $0xFFFFFFFF  }
0xa5: {  	s26 =	simm.s32 $execute0_lowered;
	[smem:$0x3FD2] =	sst s25  }
0xa6: {  	s5 =	sshll.u32 s26, $0x1;
	_ =	strace $0x80000046;
	[dreg:$0x1] =	wrdreg $0xFFFFFFFF  }
0xa7: {  	s28 =	simm.s32 $_size_execute0_lowered;
	s3 =	sadd.s32 s3, s5;
	[dreg:$0x0] =	wrdreg $0x0  }
0xa8: {  	s5 =	sshll.u32 s28, $0x1;
	[dreg:$0x2] =	wrdreg s3  }
0xa9: {  	[dreg:$0x3] =	wrdreg s5  }
0xaa: {  	[dreg:$0x4] =	wrdreg $0xC0  }
0xab: {  	_ =	task [dreg:s7], $0x5FFFF  }
0xac: {  	[dreg:$0x1] =	wrdreg $0xFFFFFFFF  }
0xad: {  	[dreg:$0x0] =	wrdreg $0x60  }
0xae: {  	[dreg:$0x2] =	wrdreg s24  }
0xaf: {  	[dreg:$0x3] =	wrdreg s2  }
0xb0: {  	[dreg:$0x4] =	wrdreg $0x9  }
0xb1: {  	_ =	task.clear_ibuf [dreg:s7], $0x5FFFF;
	_ =	strace $0x90000046  }
0xb2: {  	s29 =	simm.s32 $0x9;
	_ =	strace $0x80000048  }
0xb3: {  	_ =	swait.ge [sflag:s29], $0x1  }
0xb4: {  	[sflag:s29] =	ssyncadd.s32 $0xFFFFFFFF  }
0xb5: {  	_ =	strace $0x90000048  }
0xb6: {  	_ =	sfence  }
0xb7: {  	s30 =	sld [smem:$0x0];
	_ =	sdelay $0x2  }
0xb8: {  	s31 =	sshll.u32 s1, $0xD;
	s1 =	sshrl.u32 s1, $0x2  }
0xb9: {  	s3 =	sand.u32 $0x4000, s31;
	s1 =	sadd.s32 s1, s30  }
0xba: {  	s0 =	sor.u32 s3, s0;
	s1 =	sshll.u32 s1, $0x11  }
0xbb: {  	s0 =	sor.u32 s1, s0  }
0xbc: {  	s0 =	sadd.s32 $0x8F2B, s0  }
0xbd: {  	[sflag:s0] =	ssyncadd.remote.s32 $0x1  }
0xbe: {  	_ =	sfence.sel $0xFFFF  }
0xbf: {  	[dreg:$0x0] =	wrdreg $0xFFFFFFFF;
	(pc) =	sbr.abs _section_cstart, $3  }
0xc0: {  	[dreg:$0x1] =	wrdreg $0xFFFFFFFF  }
0xc1: {  	_ =	task.clear_ibuf [dreg:s7], $0x2FFFF;
	_ =	strace $0x9FFFFFFF  }
0xc2: {  	(tm) =	ssettm $0x7FFFFFFF  }
0xc3: {  	_ =	shalt  }
tec
execute0_lowered:
.L_overlay_start_1:
0x0: {  	(tag) =	ssettag $0x1  }
0x1: {  	s0 =	rddreg [dreg:$0x0]  }
0x2: {  	s1 =	srdreg.scid;
	s3 =	stileid.u32  }
0x3: {  	s2 =	rddreg [dreg:$0x1];
	s11 =	simm.s32 $0x80;
	s13 =	simm.s32 $0x9  }
0x4: {  	s20 =	simm.s32 $0x1;
	s21 =	simm.s32 $0xE400;
	s22 =	simm.s32 $0x2  }
0x5: {  	s23 =	simm.s32 $0x10600;
	s24 =	simm.s32 $0x3;
	s28 =	simm.s32 $0x14A00  }
0x6: {  	s29 =	simm.s32 $0x5;
	s30 =	simm.s32 $0x6;
	s31 =	simm.s32 $0x7  }
0x7: {  	s1 =	sand.u32 $0x1, s1;
	s4 =	sshll.u32 s3, $0x1;
	s3 =	simm.s32 $0x0  }
0x8: {  	s8 =	sadd.s32 $0x10000, s2;
	s9 =	sadd.s32 $0x18000, s2;
	s5 =	sor.u32 s1, s4  }
0x9: {  	[smem:$0x7FF] =	sst s3;
	s1 =	ssub.s32 $0x2, s1;
	s4 =	sshll.u32 s5, $0x4  }
0xa: {  	_ =	strace $0x80000047;
	s7 =	sshrl.u32 s1, $0x1;
	s6 =	sadd.s32 s4, s0  }
0xb: {  	v0 =	vlaneseq.u32;
	s4 =	sadd.s32 $0xF42A00, s0;
	s25 =	ssub.s32 s1, s7;
	s7 =	sadd.s32 $0x8000, s2  }
0xc: {  	v0 =	vmul.u32 $0x88, v0;
	s1 =	simm.s32 $0x8;
	s26 =	sadd.s32 $0x600, s6;
	s6 =	sshll.u32 s5, $0x7  }
0xd: {  	s0 =	smax.u32 s25, $0x1;
	s25 =	simm.s32 $0x12800;
	[dreg:$0x3] =	wrdreg s26  }
0xe: {  	v1 =	vadd.s32 $0x880, v0;
	v2 =	vadd.s32 $0x1100, v0;
	v3 =	vadd.s32 $0x1980, v0;
	[dreg:$0x4] =	wrdreg s0;
	s26 =	simm.s32 $0x4;
	s0 =	simm.s32 $0x0  }
.LBB2_1:
0xf: {  	s5 =	rddreg [dreg:$0x3];
	s10 =	simm.s32 $0x1000  }
0x10: {  	[tilespmem:s3], [sflag:$0x9] =	stream.strided.gather [hbm4b:s5+s11], $0x6400, s10, s11, $0x38;
	[tilespmem:$0x16C00] =	vst v63  }
0x11: {  	_ =	swait.ge [sflag:s13], $0x6400  }
0x12: {  	[sflag:s13] =	ssyncset.done $0x0  }
0x13: {  	s14 =	simm.s32 $0x6400;
	[sflag:s13] =	ssyncadd.s32 $0xFFFF9C00  }
0x14: {  	[tilespmem:s14], [sflag:$0x1] =	stream.indirect.gather [hbm4b:s4+s11], $0x40, s3, s11, $0xb8;
	[tilespmem:$0x16C00] =	vst v63  }
0x15: {  	s15 =	simm.s32 $0x8400  }
0x16: {  	[tilespmem:s15], [sflag:$0x2] =	stream.indirect.gather [hbm4b:s4+s11], $0x40, s11, s11, $0xb8;
	[tilespmem:$0x16C00] =	vst v63  }
0x17: {  	s16 =	simm.s32 $0x100;
	s17 =	simm.s32 $0xA400  }
0x18: {  	[tilespmem:s17], [sflag:$0x3] =	stream.indirect.gather [hbm4b:s4+s11], $0x40, s16, s11, $0xb8;
	[tilespmem:$0x16C00] =	vst v63  }
0x19: {  	s18 =	simm.s32 $0x180;
	s19 =	simm.s32 $0xC400;
	s12 =	simm.s32 $0x0  }
0x1a: {  	[tilespmem:s19], [sflag:$0x4] =	stream.indirect.gather [hbm4b:s4+s11], $0x40, s18, s11, $0xb8;
	[tilespmem:$0x16C00] =	vst v63  }
.LBB2_2:
0x1b: {  	_ =	swait.ge [sflag:s20], $0x2000  }
0x1c: {  	p0 =	seq.s32 s12, $0x0;
	[sflag:s20] =	ssyncset.done $0x0  }
0x1d: {  	s5 =	simm.s32 @!p0 $0x5;
	[sflag:s20] =	ssyncadd.s32 $0xFFFFE000  }
0x1e: {  	_ =	swait.ge @!p0 [sflag:s5], $0x2000  }
0x1f: {  	[sflag:s5] =	ssyncset.done @!p0 $0x0  }
0x20: {  	s15 =	simm.s32 $0x6480;
	s17 =	simm.s32 $0x3;
	[sflag:s5] =	ssyncadd.s32 @!p0 $0xFFFFE000  }
0x21: {  	v4 =	vmov s17;
	v5 =	vld [tilespmem:s15+$0x40]  }
0x22: {  	v9 =	vand.u32 $0x7F, v4  }
0x23: {  	s18 =	simm.s32 $0x0;
	v4 =	vadd.s32 v0, v9  }
0x24: {  	s19 =	simm.s32 $0x1;
	s14 =	simm.s32 $0x2;
	v6 =	vmov s18;
	v7 =	vld [tilespmem:s15+$0xFFFFFF80]  }
0x25: {  	v11 =	vmov s14;
	v8 =	vand.u32 $0x7C, v6;
	v6 =	vmov s19;
	v10 =	vld [tilespmem:s15+$0xFFFFFFC0]  }
0x26: {  	v12 =	vadd.s32 v0, v8;
	v15 =	vand.u32 $0x7D, v6;
	v6 =	vld [tilespmem:s15+$0x0];
	v5 =	vmul.f32 $8.000000000e+00, v5  }
0x27: {  	v17 =	vand.u32 $0x7E, v11;
	v13 =	vadd.s32 v0, v15  }
0x28: {  	v11 =	vadd.s32 v0, v17;
	[tilespmem:v4+s21+$0x0] =	vst.idx.msk $0xffff, v5  }
0x29: {  	v4 =	vmul.f32 $8.000000000e+00, v7;
	v5 =	vld [tilespmem:s15+$0x50]  }
0x2a: {  	v7 =	vmul.f32 $8.000000000e+00, v10  }
0x2b: {  	[tilespmem:v12+s21+$0x0] =	vst.idx.msk $0xffff, v4;
	v4 =	vmul.f32 $8.000000000e+00, v6;
	v6 =	vadd.s32 v1, v9  }
0x2c: {  	[tilespmem:v13+s21+$0x0] =	vst.idx.msk $0xffff, v7;
	v10 =	vld [tilespmem:s15+$0xFFFFFF90]  }
0x2d: {  	v7 =	vld [tilespmem:s15+$0xFFFFFFD0];
	[tilespmem:v11+s21+$0x0] =	vst.idx.msk $0xffff, v4  }
0x2e: {  	v11 =	vld [tilespmem:s15+$0x10];
	v4 =	vmul.f32 $8.000000000e+00, v5  }
0x2f: {  	s10 =	simm.s32 $0x4;
	s16 =	simm.s32 $0x7;
	s14 =	simm.s32 $0x6580;
	v12 =	vadd.s32 v1, v15  }
0x30: {  	v14 =	vld [tilespmem:s14+$0x40];
	v13 =	vadd.s32 v1, v17;
	v5 =	vmov s10;
	[tilespmem:v6+s21+$0x0] =	vst.idx.msk $0xffff, v4;
	v6 =	vmov s16  }
0x31: {  	v16 =	vadd.s32 v1, v8;
	v4 =	vand.u32 $0x7C, v5;
	v5 =	vand.u32 $0x7F, v6;
	v18 =	vld [tilespmem:s15+$0x60]  }
0x32: {  	s17 =	simm.s32 $0x5;
	v22 =	vadd.s32 v2, v9;
	v19 =	vld [tilespmem:s14+$0xFFFFFF80];
	v6 =	vmul.f32 $8.000000000e+00, v7;
	v20 =	vadd.s32 v0, v5  }
0x33: {  	s18 =	simm.s32 $0x6;
	v21 =	vld [tilespmem:s14+$0xFFFFFFC0];
	v10 =	vmul.f32 $8.000000000e+00, v10;
	v7 =	vmul.f32 $8.000000000e+00, v11;
	v11 =	vmov s17  }
0x34: {  	v23 =	vadd.s32 v0, v4;
	[tilespmem:v12+s21+$0x0] =	vst.idx.msk $0xffff, v6;
	v12 =	vmov s18;
	v6 =	vand.u32 $0x7D, v11;
	v11 =	vld [tilespmem:s14+$0x0]  }
0x35: {  	[tilespmem:v13+s21+$0x0] =	vst.idx.msk $0xffff, v7;
	v13 =	vadd.s32 v0, v6;
	v7 =	vand.u32 $0x7E, v12;
	v12 =	vmul.f32 $8.000000000e+00, v14;
	v14 =	vld [tilespmem:s15+$0xFFFFFFE0]  }
0x36: {  	[tilespmem:v16+s21+$0x0] =	vst.idx.msk $0xffff, v10;
	v10 =	vadd.s32 v0, v7;
	v16 =	vld [tilespmem:s15+$0x20];
	v18 =	vmul.f32 $8.000000000e+00, v18  }
0x37: {  	v19 =	vmul.f32 $8.000000000e+00, v19;
	[tilespmem:v20+s21+$0x0] =	vst.idx.msk $0xffff, v12;
	v12 =	vld [tilespmem:s15+$0xFFFFFFA0];
	v20 =	vadd.s32 v2, v15  }
0x38: {  	v25 =	vadd.s32 v2, v17;
	v21 =	vmul.f32 $8.000000000e+00, v21;
	v24 =	vld [tilespmem:s14+$0x50];
	[tilespmem:v22+s21+$0x0] =	vst.idx.msk $0xffff, v18  }
0x39: {  	[tilespmem:v23+s21+$0x0] =	vst.idx.msk $0xffff, v19;
	v19 =	vadd.s32 v2, v8;
	v11 =	vmul.f32 $8.000000000e+00, v11;
	v22 =	vld [tilespmem:s15+$0x70]  }
0x3a: {  	v23 =	vld [tilespmem:s14+$0xFFFFFF90];
	[tilespmem:v13+s21+$0x0] =	vst.idx.msk $0xffff, v21;
	v21 =	vadd.s32 v1, v5;
	v14 =	vmul.f32 $8.000000000e+00, v14  }
0x3b: {  	v27 =	vadd.s32 v3, v9;
	v26 =	vld [tilespmem:s14+$0xFFFFFFD0];
	[tilespmem:v10+s21+$0x0] =	vst.idx.msk $0xffff, v11;
	v10 =	vmul.f32 $8.000000000e+00, v16  }
0x3c: {  	v18 =	vadd.s32 v1, v4;
	v13 =	vld [tilespmem:s14+$0x10];
	v9 =	vmul.f32 $8.000000000e+00, v12;
	[tilespmem:v20+s21+$0x0] =	vst.idx.msk $0xffff, v14  }
0x3d: {  	s17 =	simm.s32 $0x8;
	v16 =	vadd.s32 v1, v6;
	[tilespmem:v25+s21+$0x0] =	vst.idx.msk $0xffff, v10;
	v14 =	vmul.f32 $8.000000000e+00, v24;
	v12 =	vld [tilespmem:s15+$0xFFFFFFF0]  }
0x3e: {  	v20 =	vmov s17;
	v10 =	vadd.s32 v1, v7;
	v11 =	vld [tilespmem:s15+$0x30];
	[tilespmem:v19+s21+$0x0] =	vst.idx.msk $0xffff, v9;
	v63 =	vmul.f32 $8.000000000e+00, v22  }
0x3f: {  	s19 =	simm.s32 $0xB;
	s16 =	simm.s32 $0x6680;
	v15 =	vadd.s32 v3, v15;
	v9 =	vand.u32 $0x7C, v20;
	v20 =	vmul.f32 $8.000000000e+00, v23;
	[tilespmem:v21+s21+$0x0] =	vst.idx.msk $0xffff, v14;
	v14 =	vld [tilespmem:s15+$0xFFFFFFB0]  }
0x40: {  	v17 =	vadd.s32 v3, v17;
	s18 =	simm.s32 $0xC;
	v22 =	vmov s19;
	v19 =	vld [tilespmem:s16+$0x40];
	s15 =	sshll.u32 s12, $0xB;
	v21 =	vmul.f32 $8.000000000e+00, v26;
	[tilespmem:v27+s21+$0x0] =	vst.idx.msk $0xffff, v63  }
.LBB2_3:
0x41: {  	p1 =	slt.u32 s18, $0x7C;
	s5 =	sadd.s32 $0x1, s17;
	v22 =	vand.u32 $0x7F, v22;
	[tilespmem:v18+s21+$0x0] =	vst.idx.msk $0xffff, v20;
	v13 =	vmul.f32 $8.000000000e+00, v13;
	v18 =	vld [tilespmem:s14+$0x60];
	v20 =	vadd.s32 v3, v8;
	v8 =	vmovc v4  }
0x42: {  	v4 =	vmovc v9;
	v23 =	vld [tilespmem:s16+$0xFFFFFF80];
	v24 =	vmov s5;
	s5 =	sadd.s32 $0x2, s17;
	v25 =	vadd.s32 v0, v22;
	[tilespmem:v16+s21+$0x0] =	vst.idx.msk $0xffff, v21;
	v12 =	vmul.f32 $8.000000000e+00, v12;
	s17 =	smov.u32 s18  }
0x43: {  	v9 =	vld [tilespmem:s16+$0xFFFFFFC0];
	v16 =	vmov s5;
	[tilespmem:v10+s21+$0x0] =	vst.idx.msk $0xffff, v13;
	v10 =	vadd.s32 v2, v5;
	v11 =	vmul.f32 $8.000000000e+00, v11  }
0x44: {  	v13 =	vadd.s32 v0, v4;
	v21 =	vand.u32 $0x7D, v24;
	v24 =	vld [tilespmem:s16+$0x0];
	v14 =	vmul.f32 $8.000000000e+00, v14;
	[tilespmem:v15+s21+$0x0] =	vst.idx.msk $0xffff, v12  }
0x45: {  	v12 =	vadd.s32 v0, v21;
	v26 =	vand.u32 $0x7E, v16;
	v15 =	vmul.f32 $8.000000000e+00, v19;
	v16 =	vld [tilespmem:s14+$0xFFFFFFE0];
	[tilespmem:v17+s21+$0x0] =	vst.idx.msk $0xffff, v11  }
0x46: {  	v11 =	vadd.s32 v0, v26;
	v17 =	vld [tilespmem:s14+$0x20];
	v18 =	vmul.f32 $8.000000000e+00, v18;
	[tilespmem:v20+s21+$0x0] =	vst.idx.msk $0xffff, v14  }
0x47: {  	v19 =	vadd.s32 v2, v6;
	v14 =	vmul.f32 $8.000000000e+00, v23;
	[tilespmem:v25+s21+$0x0] =	vst.idx.msk $0xffff, v15;
	v15 =	vld [tilespmem:s14+$0xFFFFFFA0]  }
0x48: {  	v23 =	vadd.s32 v2, v7;
	v9 =	vmul.f32 $8.000000000e+00, v9;
	v20 =	vld [tilespmem:s16+$0x50];
	[tilespmem:v10+s21+$0x0] =	vst.idx.msk $0xffff, v18  }
0x49: {  	[tilespmem:v13+s21+$0x0] =	vst.idx.msk $0xffff, v14;
	v10 =	vmul.f32 $8.000000000e+00, v24;
	v14 =	vadd.s32 v2, v8;
	v24 =	vld [tilespmem:s14+$0x70]  }
0x4a: {  	v27 =	vadd.s32 v1, v22;
	v25 =	vld [tilespmem:s16+$0xFFFFFF90];
	[tilespmem:v12+s21+$0x0] =	vst.idx.msk $0xffff, v9;
	v9 =	vmul.f32 $8.000000000e+00, v16  }
0x4b: {  	v29 =	vadd.s32 v3, v5;
	v5 =	vmov v22;
	v28 =	vld [tilespmem:s16+$0xFFFFFFD0];
	[tilespmem:v11+s21+$0x0] =	vst.idx.msk $0xffff, v10;
	v10 =	vmul.f32 $8.000000000e+00, v17  }
.Ltmp0:
0x4c: {  	v18 =	vadd.s32 v1, v4;
	v13 =	vld [tilespmem:s16+$0x10];
	v11 =	vmul.f32 $8.000000000e+00, v15;
	[tilespmem:v19+s21+$0x0] =	vst.idx.msk $0xffff, v9;
	(pc) =	sbr.rel @p1 .LBB2_3-.Ltmp0, $4  }
0x4d: {  	v16 =	vadd.s32 v1, v21;
	v15 =	vmul.f32 $8.000000000e+00, v20;
	v12 =	vld [tilespmem:s14+$0xFFFFFFF0];
	[tilespmem:v23+s21+$0x0] =	vst.idx.msk $0xffff, v10  }
0x4e: {  	v9 =	vmov s18;
	v10 =	vadd.s32 v1, v26;
	[tilespmem:v14+s21+$0x0] =	vst.idx.msk $0xffff, v11;
	v11 =	vld [tilespmem:s14+$0x30];
	v23 =	vmul.f32 $8.000000000e+00, v24  }
0x4f: {  	s5 =	sadd.s32 $0x3, s18;
	v9 =	vand.u32 $0x7C, v9;
	v20 =	vmul.f32 $8.000000000e+00, v25;
	[tilespmem:v27+s21+$0x0] =	vst.idx.msk $0xffff, v15;
	v14 =	vld [tilespmem:s14+$0xFFFFFFB0];
	v15 =	vadd.s32 v3, v6;
	v6 =	vmovc v21;
	s14 =	smov.u32 s16;
	s16 =	sadd.s32 $0x100, s16  }
0x50: {  	v22 =	vmov s5;
	v17 =	vadd.s32 v3, v7;
	v7 =	vmovc v26;
	s18 =	sadd.s32 $0x4, s18;
	v19 =	vld [tilespmem:s16+$0x40];
	v21 =	vmul.f32 $8.000000000e+00, v28;
	[tilespmem:v29+s21+$0x0] =	vst.idx.msk $0xffff, v23  }
0x51: {  	s5 =	sadd.s32 $0x1, s17;
	v22 =	vand.u32 $0x7F, v22;
	v28 =	vld [tilespmem:s16+$0xFFFFFF80]  }
0x52: {  	s10 =	sadd.s32 $0x2, s17;
	v24 =	vld [tilespmem:s16+$0xFFFFFFC0];
	v23 =	vmov s5;
	v25 =	vadd.s32 v0, v22  }
0x53: {  	v27 =	vld [tilespmem:s16+$0x0];
	v51 =	vadd.s32 v0, v9;
	v26 =	vmov s10;
	v23 =	vand.u32 $0x7D, v23  }
0x54: {  	v26 =	vand.u32 $0x7E, v26;
	v29 =	vadd.s32 v0, v23  }
0x55: {  	[tilespmem:v18+s21+$0x0] =	vst.idx.msk $0xffff, v20;
	v30 =	vadd.s32 v0, v26;
	v19 =	vmul.f32 $8.000000000e+00, v19  }
0x56: {  	[tilespmem:v16+s21+$0x0] =	vst.idx.msk $0xffff, v21;
	v54 =	vmul.f32 $8.000000000e+00, v28  }
0x57: {  	v52 =	vmul.f32 $8.000000000e+00, v24;
	[tilespmem:v25+s21+$0x0] =	vst.idx.msk $0xffff, v19  }
0x58: {  	v53 =	vmul.f32 $8.000000000e+00, v27;
	v55 =	vld [tilespmem:s16+$0x50];
	[tilespmem:v51+s21+$0x0] =	vst.idx.msk $0xffff, v54  }
0x59: {  	v13 =	vmul.f32 $8.000000000e+00, v13;
	v8 =	vadd.s32 v3, v8;
	[tilespmem:v29+s21+$0x0] =	vst.idx.msk $0xffff, v52;
	v59 =	vld [tilespmem:s16+$0xFFFFFF90]  }
0x5a: {  	v12 =	vmul.f32 $8.000000000e+00, v12;
	v57 =	vadd.s32 v1, v22;
	[tilespmem:v30+s21+$0x0] =	vst.idx.msk $0xffff, v53;
	v56 =	vld [tilespmem:s16+$0xFFFFFFD0]  }
0x5b: {  	[tilespmem:v10+s21+$0x0] =	vst.idx.msk $0xffff, v13;
	v58 =	vmul.f32 $8.000000000e+00, v11;
	v28 =	vadd.s32 v1, v9;
	v19 =	vld [tilespmem:s16+$0x10]  }
0x5c: {  	v61 =	vld [tilespmem:s14+$0x60];
	v60 =	vadd.s32 v1, v23;
	v14 =	vmul.f32 $8.000000000e+00, v14;
	[tilespmem:v15+s21+$0x0] =	vst.idx.msk $0xffff, v12  }
0x5d: {  	v32 =	vld [tilespmem:s14+$0xFFFFFFA0];
	v62 =	vadd.s32 v1, v26;
	[tilespmem:v17+s21+$0x0] =	vst.idx.msk $0xffff, v58;
	v16 =	vmul.f32 $8.000000000e+00, v55  }
0x5e: {  	[tilespmem:v8+s21+$0x0] =	vst.idx.msk $0xffff, v14;
	v29 =	vadd.s32 v2, v5;
	v30 =	vld [tilespmem:s14+$0x20];
	v11 =	vmul.f32 $8.000000000e+00, v59  }
0x5f: {  	v38 =	vadd.s32 v2, v4;
	v63 =	vld [tilespmem:s14+$0xFFFFFFE0];
	v31 =	vmul.f32 $8.000000000e+00, v56;
	[tilespmem:v57+s21+$0x0] =	vst.idx.msk $0xffff, v16  }
0x60: {  	v35 =	vadd.s32 v2, v7;
	v34 =	vmul.f32 $8.000000000e+00, v19;
	v36 =	vld [tilespmem:s16+$0x60];
	[tilespmem:v28+s21+$0x0] =	vst.idx.msk $0xffff, v11  }
0x61: {  	v33 =	vadd.s32 v2, v6;
	v37 =	vmul.f32 $8.000000000e+00, v61;
	[tilespmem:v60+s21+$0x0] =	vst.idx.msk $0xffff, v31;
	v43 =	vld [tilespmem:s16+$0xFFFFFFA0]  }
0x62: {  	v40 =	vadd.s32 v2, v22;
	v14 =	vmul.f32 $8.000000000e+00, v32;
	[tilespmem:v62+s21+$0x0] =	vst.idx.msk $0xffff, v34;
	v39 =	vld [tilespmem:s16+$0xFFFFFFE0]  }
0x63: {  	v48 =	vadd.s32 v2, v9;
	[tilespmem:v29+s21+$0x0] =	vst.idx.msk $0xffff, v37;
	v42 =	vmul.f32 $8.000000000e+00, v30;
	v41 =	vld [tilespmem:s16+$0x20]  }
0x64: {  	v44 =	vadd.s32 v2, v23;
	v15 =	vmul.f32 $8.000000000e+00, v63;
	[tilespmem:v38+s21+$0x0] =	vst.idx.msk $0xffff, v14;
	v45 =	vld [tilespmem:s14+$0x70]  }
0x65: {  	v46 =	vadd.s32 v2, v26;
	v14 =	vld [tilespmem:s14+$0xFFFFFFB0];
	[tilespmem:v35+s21+$0x0] =	vst.idx.msk $0xffff, v42;
	v47 =	vmul.f32 $8.000000000e+00, v36  }
0x66: {  	v5 =	vadd.s32 v3, v5;
	[tilespmem:v33+s21+$0x0] =	vst.idx.msk $0xffff, v15;
	v49 =	vld [tilespmem:s14+$0x30];
	v53 =	vmul.f32 $8.000000000e+00, v43  }
0x67: {  	v4 =	vadd.s32 v3, v4;
	v21 =	vld [tilespmem:s14+$0xFFFFFFF0];
	v12 =	vmul.f32 $8.000000000e+00, v39;
	[tilespmem:v40+s21+$0x0] =	vst.idx.msk $0xffff, v47  }
0x68: {  	v52 =	vadd.s32 v3, v7;
	v51 =	vmul.f32 $8.000000000e+00, v41;
	v10 =	vld [tilespmem:s16+$0x70];
	[tilespmem:v48+s21+$0x0] =	vst.idx.msk $0xffff, v53  }
0x69: {  	v50 =	vadd.s32 v3, v6;
	v54 =	vmul.f32 $8.000000000e+00, v45;
	[tilespmem:v44+s21+$0x0] =	vst.idx.msk $0xffff, v12;
	v59 =	vld [tilespmem:s16+$0xFFFFFFB0]  }
0x6a: {  	v57 =	vadd.s32 v3, v22;
	v14 =	vmul.f32 $8.000000000e+00, v14;
	[tilespmem:v46+s21+$0x0] =	vst.idx.msk $0xffff, v51;
	v55 =	vld [tilespmem:s16+$0xFFFFFFF0]  }
0x6b: {  	v62 =	vadd.s32 v3, v9;
	[tilespmem:v5+s21+$0x0] =	vst.idx.msk $0xffff, v54;
	v5 =	vmul.f32 $8.000000000e+00, v49;
	v58 =	vld [tilespmem:s16+$0x30]  }
0x6c: {  	v56 =	vmul.f32 $8.000000000e+00, v21;
	v60 =	vadd.s32 v3, v23;
	[tilespmem:v4+s21+$0x0] =	vst.idx.msk $0xffff, v14  }
0x6d: {  	v61 =	vadd.s32 v3, v26;
	[tilespmem:v52+s21+$0x0] =	vst.idx.msk $0xffff, v5;
	v5 =	vmul.f32 $8.000000000e+00, v10  }
0x6e: {  	[tilespmem:v50+s21+$0x0] =	vst.idx.msk $0xffff, v56;
	v63 =	vmul.f32 $8.000000000e+00, v59  }
0x6f: {  	v4 =	vmul.f32 $8.000000000e+00, v55;
	[tilespmem:v57+s21+$0x0] =	vst.idx.msk $0xffff, v5  }
0x70: {  	p1 =	seq.s32 s12, $0x31;
	v5 =	vmul.f32 $8.000000000e+00, v58;
	[tilespmem:v62+s21+$0x0] =	vst.idx.msk $0xffff, v63  }
0x71: {  	s17 =	sshll.u32 s12, $0x11;
	s14 =	sshrl.u32 @!p1 s15, $0x2;
	[tilespmem:v60+s21+$0x0] =	vst.idx.msk $0xffff, v4  }
0x72: {  	s15 =	simm.s32 @!p1 $0x80;
	s5 =	sadd.s32 @!p1 $0x200, s14;
	s16 =	simm.s32 @!p1 $0x6400;
	[tilespmem:v61+s21+$0x0] =	vst.idx.msk $0xffff, v5  }
0x73: {  	[tilespmem:s16], [sflag:$0x1] =	stream.indirect.gather @!p1 [hbm4b:s4+s15], $0x40, s5, s15, $0xb8;
	[tilespmem:$0x16C00] =	vst v63  }
0x74: {  	s15 =	sor.u32 s6, s17  }
0x75: {  	s18 =	simm.s32 $0xE400;
	s17 =	sadd.s32 s2, s15  }
0x76: {  	[hbm4b:s17+s3] =	stream.linear.scatter [tilespmem:s18], [sflag:$0x5], $0x80, $0x38;
	[tilespmem:$0x16C00] =	vst v63  }
0x77: {  	s19 =	simm.s32 $0xE488;
	s10 =	sadd.s32 $0x10, s17  }
0x78: {  	[hbm4b:s10+s3] =	stream.linear.scatter [tilespmem:s19], [sflag:$0x5], $0x80, $0x38;
	[tilespmem:$0x16C00] =	vst v63  }
0x79: {  	s16 =	simm.s32 $0xE510;
	s18 =	sadd.s32 $0x20, s17  }
0x7a: {  	[hbm4b:s18+s3] =	stream.linear.scatter [tilespmem:s16], [sflag:$0x5], $0x80, $0x38;
	[tilespmem:$0x16C00] =	vst v63  }
0x7b: {  	s19 =	simm.s32 $0xE598;
	s10 =	sadd.s32 $0x30, s17  }
0x7c: {  	[hbm4b:s10+s3] =	stream.linear.scatter [tilespmem:s19], [sflag:$0x5], $0x80, $0x38;
	[tilespmem:$0x16C00] =	vst v63  }
0x7d: {  	s16 =	simm.s32 $0xE620;
	s18 =	sadd.s32 $0x40, s17  }
0x7e: {  	[hbm4b:s18+s3] =	stream.linear.scatter [tilespmem:s16], [sflag:$0x5], $0x80, $0x38;
	[tilespmem:$0x16C00] =	vst v63  }
0x7f: {  	s5 =	sadd.s32 $0x70, s17;
	s19 =	simm.s32 $0xE6A8;
	s10 =	sadd.s32 $0x50, s17  }
0x80: {  	[hbm4b:s10+s3] =	stream.linear.scatter [tilespmem:s19], [sflag:$0x5], $0x80, $0x38;
	[tilespmem:$0x16C00] =	vst v63  }
0x81: {  	s18 =	simm.s32 $0xE730;
	s16 =	simm.s32 $0x440;
	s19 =	sadd.s32 $0x60, s17  }
0x82: {  	[hbm4b:s19+s3] =	stream.linear.scatter [tilespmem:s18], [sflag:$0x5], $0x80, $0x38;
	[tilespmem:$0x16C00] =	vst v63  }
0x83: {  	s17 =	sadd.s32 $0x1000, s17;
	s18 =	simm.s32 $0x2200;
	s19 =	simm.s32 $0xE7B8  }
.LBB2_5:
0x84: {  	[hbm4b:s5+s3] =	stream.linear.scatter [tilespmem:s19], [sflag:$0x5], $0x80, $0x38;
	[tilespmem:$0x16C00] =	vst v63  }
0x85: {  	s5 =	smov.u32 s16;
	s16 =	smov.u32 s18  }
0x86: {  	s10 =	sadd.s32 $0x1100, s18;
	s16 =	sshra.s32 s16, $0x2;
	s19 =	sadd.s32 $0xE400, s5  }
0x87: {  	[hbm4b:s17+s3] =	stream.linear.scatter [tilespmem:s19], [sflag:$0x5], $0x80, $0x38;
	[tilespmem:$0x16C00] =	vst v63  }
0x88: {  	p2 =	sne.s32 s18, $0x7700;
	s18 =	sadd.s32 $0xE488, s5;
	s19 =	sadd.s32 $0x10, s17  }
0x89: {  	[hbm4b:s19+s3] =	stream.linear.scatter [tilespmem:s18], [sflag:$0x5], $0x80, $0x38;
	[tilespmem:$0x16C00] =	vst v63  }
0x8a: {  	s18 =	sadd.s32 $0xE510, s5;
	s19 =	sadd.s32 $0x20, s17  }
0x8b: {  	[hbm4b:s19+s3] =	stream.linear.scatter [tilespmem:s18], [sflag:$0x5], $0x80, $0x38;
	[tilespmem:$0x16C00] =	vst v63  }
0x8c: {  	s18 =	sadd.s32 $0xE598, s5;
	s19 =	sadd.s32 $0x30, s17  }
0x8d: {  	[hbm4b:s19+s3] =	stream.linear.scatter [tilespmem:s18], [sflag:$0x5], $0x80, $0x38;
	[tilespmem:$0x16C00] =	vst v63  }
0x8e: {  	s18 =	sadd.s32 $0xE620, s5;
	s19 =	sadd.s32 $0x40, s17  }
0x8f: {  	[hbm4b:s19+s3] =	stream.linear.scatter [tilespmem:s18], [sflag:$0x5], $0x80, $0x38;
	[tilespmem:$0x16C00] =	vst v63  }
0x90: {  	s18 =	sadd.s32 $0xE6A8, s5;
	s19 =	sadd.s32 $0x50, s17  }
0x91: {  	[hbm4b:s19+s3] =	stream.linear.scatter [tilespmem:s18], [sflag:$0x5], $0x80, $0x38;
	[tilespmem:$0x16C00] =	vst v63  }
.Ltmp1:
0x92: {  	_ = 	snop;
	(pc) =	sbr.rel @p2 .LBB2_5-.Ltmp1, $4  }
0x93: {  	s18 =	sadd.s32 $0xE730, s5;
	s19 =	sadd.s32 $0x60, s17  }
0x94: {  	[hbm4b:s19+s3] =	stream.linear.scatter [tilespmem:s18], [sflag:$0x5], $0x80, $0x38;
	[tilespmem:$0x16C00] =	vst v63  }
0x95: {  	s19 =	sadd.s32 $0xE7B8, s5  }
0x96: {  	s5 =	sadd.s32 $0x70, s17;
	s17 =	sadd.s32 $0x1000, s17;
	s18 =	smov.u32 s10  }
0x97: {  	[hbm4b:s5+s3] =	stream.linear.scatter [tilespmem:s19], [sflag:$0x5], $0x80, $0x38;
	[tilespmem:$0x16C00] =	vst v63  }
0x98: {  	s18 =	sadd.s32 $0xE400, s16  }
0x99: {  	[hbm4b:s17+s3] =	stream.linear.scatter [tilespmem:s18], [sflag:$0x5], $0x80, $0x38;
	[tilespmem:$0x16C00] =	vst v63  }
0x9a: {  	s19 =	sadd.s32 $0xE488, s16;
	s10 =	sadd.s32 $0x10, s17  }
0x9b: {  	[hbm4b:s10+s3] =	stream.linear.scatter [tilespmem:s19], [sflag:$0x5], $0x80, $0x38;
	[tilespmem:$0x16C00] =	vst v63  }
0x9c: {  	s18 =	sadd.s32 $0xE510, s16;
	s19 =	sadd.s32 $0x20, s17  }
0x9d: {  	[hbm4b:s19+s3] =	stream.linear.scatter [tilespmem:s18], [sflag:$0x5], $0x80, $0x38;
	[tilespmem:$0x16C00] =	vst v63  }
0x9e: {  	s18 =	sadd.s32 $0xE598, s16;
	s19 =	sadd.s32 $0x30, s17  }
0x9f: {  	[hbm4b:s19+s3] =	stream.linear.scatter [tilespmem:s18], [sflag:$0x5], $0x80, $0x38;
	[tilespmem:$0x16C00] =	vst v63  }
0xa0: {  	s18 =	sadd.s32 $0xE620, s16;
	s19 =	sadd.s32 $0x40, s17  }
0xa1: {  	[hbm4b:s19+s3] =	stream.linear.scatter [tilespmem:s18], [sflag:$0x5], $0x80, $0x38;
	[tilespmem:$0x16C00] =	vst v63  }
0xa2: {  	s18 =	sadd.s32 $0xE6A8, s16;
	s19 =	sadd.s32 $0x50, s17  }
0xa3: {  	[hbm4b:s19+s3] =	stream.linear.scatter [tilespmem:s18], [sflag:$0x5], $0x80, $0x38;
	[tilespmem:$0x16C00] =	vst v63  }
0xa4: {  	s18 =	sadd.s32 $0xE730, s16;
	s19 =	sadd.s32 $0x60, s17  }
0xa5: {  	[hbm4b:s19+s3] =	stream.linear.scatter [tilespmem:s18], [sflag:$0x5], $0x80, $0x38;
	[tilespmem:$0x16C00] =	vst v63  }
0xa6: {  	s10 =	sadd.s32 $0xE7B8, s16;
	s16 =	sadd.s32 $0x70, s17  }
0xa7: {  	[hbm4b:s16+s3] =	stream.linear.scatter [tilespmem:s10], [sflag:$0x5], $0x80, $0x38;
	[tilespmem:$0x16C00] =	vst v63  }
0xa8: {  	_ =	swait.ge [sflag:s22], $0x2000  }
0xa9: {  	[sflag:s22] =	ssyncset.done $0x0  }
0xaa: {  	s5 =	simm.s32 @!p0 $0x6;
	[sflag:s22] =	ssyncadd.s32 $0xFFFFE000  }
0xab: {  	_ =	swait.ge @!p0 [sflag:s5], $0x2000  }
0xac: {  	[sflag:s5] =	ssyncset.done @!p0 $0x0  }
0xad: {  	s17 =	simm.s32 $0x3;
	s19 =	simm.s32 $0x8480;
	[sflag:s5] =	ssyncadd.s32 @!p0 $0xFFFFE000  }
0xae: {  	v4 =	vmov s17;
	v5 =	vld [tilespmem:s19+$0x40]  }
0xaf: {  	v9 =	vand.u32 $0x7F, v4  }
0xb0: {  	s18 =	simm.s32 $0x0;
	v4 =	vadd.s32 v0, v9  }
0xb1: {  	v6 =	vmov s18;
	s10 =	simm.s32 $0x1;
	s16 =	simm.s32 $0x2;
	v7 =	vld [tilespmem:s19+$0xFFFFFF80]  }
0xb2: {  	v8 =	vand.u32 $0x7C, v6;
	v6 =	vmov s10;
	v11 =	vmov s16;
	v10 =	vld [tilespmem:s19+$0xFFFFFFC0]  }
0xb3: {  	v12 =	vadd.s32 v0, v8;
	v15 =	vand.u32 $0x7D, v6;
	v6 =	vld [tilespmem:s19+$0x0];
	v5 =	vmul.f32 $8.000000000e+00, v5  }
0xb4: {  	v17 =	vand.u32 $0x7E, v11;
	v13 =	vadd.s32 v0, v15  }
0xb5: {  	v11 =	vadd.s32 v0, v17;
	[tilespmem:v4+s23+$0x0] =	vst.idx.msk $0xffff, v5  }
0xb6: {  	v4 =	vmul.f32 $8.000000000e+00, v7;
	v5 =	vld [tilespmem:s19+$0x50]  }
0xb7: {  	v7 =	vmul.f32 $8.000000000e+00, v10  }
0xb8: {  	[tilespmem:v12+s23+$0x0] =	vst.idx.msk $0xffff, v4;
	v4 =	vmul.f32 $8.000000000e+00, v6;
	v6 =	vadd.s32 v1, v9  }
0xb9: {  	[tilespmem:v13+s23+$0x0] =	vst.idx.msk $0xffff, v7;
	v10 =	vld [tilespmem:s19+$0xFFFFFF90]  }
0xba: {  	v7 =	vld [tilespmem:s19+$0xFFFFFFD0];
	[tilespmem:v11+s23+$0x0] =	vst.idx.msk $0xffff, v4  }
0xbb: {  	v11 =	vld [tilespmem:s19+$0x10];
	v4 =	vmul.f32 $8.000000000e+00, v5  }
0xbc: {  	s17 =	simm.s32 $0x4;
	s18 =	simm.s32 $0x7;
	s16 =	simm.s32 $0x8580;
	v12 =	vadd.s32 v1, v15  }
0xbd: {  	v14 =	vld [tilespmem:s16+$0x40];
	v13 =	vadd.s32 v1, v17;
	v5 =	vmov s17;
	[tilespmem:v6+s23+$0x0] =	vst.idx.msk $0xffff, v4;
	v6 =	vmov s18  }
0xbe: {  	v16 =	vadd.s32 v1, v8;
	v4 =	vand.u32 $0x7C, v5;
	v5 =	vand.u32 $0x7F, v6;
	v18 =	vld [tilespmem:s19+$0x60]  }
0xbf: {  	v22 =	vadd.s32 v2, v9;
	v19 =	vld [tilespmem:s16+$0xFFFFFF80];
	s17 =	simm.s32 $0x5;
	v6 =	vmul.f32 $8.000000000e+00, v7;
	v20 =	vadd.s32 v0, v5  }
0xc0: {  	v21 =	vld [tilespmem:s16+$0xFFFFFFC0];
	v10 =	vmul.f32 $8.000000000e+00, v10;
	s18 =	simm.s32 $0x6;
	v7 =	vmul.f32 $8.000000000e+00, v11;
	v11 =	vmov s17  }
0xc1: {  	v23 =	vadd.s32 v0, v4;
	[tilespmem:v12+s23+$0x0] =	vst.idx.msk $0xffff, v6;
	v12 =	vmov s18;
	v6 =	vand.u32 $0x7D, v11;
	v11 =	vld [tilespmem:s16+$0x0]  }
0xc2: {  	[tilespmem:v13+s23+$0x0] =	vst.idx.msk $0xffff, v7;
	v13 =	vadd.s32 v0, v6;
	v7 =	vand.u32 $0x7E, v12;
	v12 =	vmul.f32 $8.000000000e+00, v14;
	v14 =	vld [tilespmem:s19+$0xFFFFFFE0]  }
0xc3: {  	[tilespmem:v16+s23+$0x0] =	vst.idx.msk $0xffff, v10;
	v10 =	vadd.s32 v0, v7;
	v16 =	vld [tilespmem:s19+$0x20];
	v18 =	vmul.f32 $8.000000000e+00, v18  }
0xc4: {  	v19 =	vmul.f32 $8.000000000e+00, v19;
	[tilespmem:v20+s23+$0x0] =	vst.idx.msk $0xffff, v12;
	v12 =	vld [tilespmem:s19+$0xFFFFFFA0];
	v20 =	vadd.s32 v2, v15  }
0xc5: {  	v25 =	vadd.s32 v2, v17;
	v21 =	vmul.f32 $8.000000000e+00, v21;
	v24 =	vld [tilespmem:s16+$0x50];
	[tilespmem:v22+s23+$0x0] =	vst.idx.msk $0xffff, v18  }
0xc6: {  	[tilespmem:v23+s23+$0x0] =	vst.idx.msk $0xffff, v19;
	v19 =	vadd.s32 v2, v8;
	v11 =	vmul.f32 $8.000000000e+00, v11;
	v22 =	vld [tilespmem:s19+$0x70]  }
0xc7: {  	v23 =	vld [tilespmem:s16+$0xFFFFFF90];
	[tilespmem:v13+s23+$0x0] =	vst.idx.msk $0xffff, v21;
	v21 =	vadd.s32 v1, v5;
	v14 =	vmul.f32 $8.000000000e+00, v14  }
0xc8: {  	v27 =	vadd.s32 v3, v9;
	v26 =	vld [tilespmem:s16+$0xFFFFFFD0];
	[tilespmem:v10+s23+$0x0] =	vst.idx.msk $0xffff, v11;
	v10 =	vmul.f32 $8.000000000e+00, v16  }
0xc9: {  	v18 =	vadd.s32 v1, v4;
	v13 =	vld [tilespmem:s16+$0x10];
	v9 =	vmul.f32 $8.000000000e+00, v12;
	[tilespmem:v20+s23+$0x0] =	vst.idx.msk $0xffff, v14  }
0xca: {  	s18 =	simm.s32 $0x8;
	v16 =	vadd.s32 v1, v6;
	[tilespmem:v25+s23+$0x0] =	vst.idx.msk $0xffff, v10;
	v14 =	vmul.f32 $8.000000000e+00, v24;
	v12 =	vld [tilespmem:s19+$0xFFFFFFF0]  }
0xcb: {  	v20 =	vmov s18;
	v10 =	vadd.s32 v1, v7;
	v11 =	vld [tilespmem:s19+$0x30];
	[tilespmem:v19+s23+$0x0] =	vst.idx.msk $0xffff, v9;
	v63 =	vmul.f32 $8.000000000e+00, v22  }
0xcc: {  	s10 =	simm.s32 $0xB;
	s17 =	simm.s32 $0x8680;
	v15 =	vadd.s32 v3, v15;
	v9 =	vand.u32 $0x7C, v20;
	v20 =	vmul.f32 $8.000000000e+00, v23;
	[tilespmem:v21+s23+$0x0] =	vst.idx.msk $0xffff, v14;
	v14 =	vld [tilespmem:s19+$0xFFFFFFB0]  }
0xcd: {  	v17 =	vadd.s32 v3, v17;
	v22 =	vmov s10;
	v19 =	vld [tilespmem:s17+$0x40];
	s19 =	simm.s32 $0xC;
	v21 =	vmul.f32 $8.000000000e+00, v26;
	[tilespmem:v27+s23+$0x0] =	vst.idx.msk $0xffff, v63  }
.LBB2_7:
0xce: {  	p2 =	slt.u32 s19, $0x7C;
	s5 =	sadd.s32 $0x1, s18;
	v22 =	vand.u32 $0x7F, v22;
	[tilespmem:v18+s23+$0x0] =	vst.idx.msk $0xffff, v20;
	v13 =	vmul.f32 $8.000000000e+00, v13;
	v18 =	vld [tilespmem:s16+$0x60];
	v20 =	vadd.s32 v3, v8;
	v8 =	vmovc v4  }
0xcf: {  	v4 =	vmovc v9;
	v23 =	vld [tilespmem:s17+$0xFFFFFF80];
	v24 =	vmov s5;
	s5 =	sadd.s32 $0x2, s18;
	v25 =	vadd.s32 v0, v22;
	[tilespmem:v16+s23+$0x0] =	vst.idx.msk $0xffff, v21;
	v12 =	vmul.f32 $8.000000000e+00, v12;
	s18 =	smov.u32 s19  }
0xd0: {  	v9 =	vld [tilespmem:s17+$0xFFFFFFC0];
	v16 =	vmov s5;
	[tilespmem:v10+s23+$0x0] =	vst.idx.msk $0xffff, v13;
	v10 =	vadd.s32 v2, v5;
	v11 =	vmul.f32 $8.000000000e+00, v11  }
0xd1: {  	v13 =	vadd.s32 v0, v4;
	v21 =	vand.u32 $0x7D, v24;
	v24 =	vld [tilespmem:s17+$0x0];
	v14 =	vmul.f32 $8.000000000e+00, v14;
	[tilespmem:v15+s23+$0x0] =	vst.idx.msk $0xffff, v12  }
0xd2: {  	v12 =	vadd.s32 v0, v21;
	v26 =	vand.u32 $0x7E, v16;
	v15 =	vmul.f32 $8.000000000e+00, v19;
	v16 =	vld [tilespmem:s16+$0xFFFFFFE0];
	[tilespmem:v17+s23+$0x0] =	vst.idx.msk $0xffff, v11  }
0xd3: {  	v11 =	vadd.s32 v0, v26;
	v17 =	vld [tilespmem:s16+$0x20];
	v18 =	vmul.f32 $8.000000000e+00, v18;
	[tilespmem:v20+s23+$0x0] =	vst.idx.msk $0xffff, v14  }
0xd4: {  	v19 =	vadd.s32 v2, v6;
	v14 =	vmul.f32 $8.000000000e+00, v23;
	[tilespmem:v25+s23+$0x0] =	vst.idx.msk $0xffff, v15;
	v15 =	vld [tilespmem:s16+$0xFFFFFFA0]  }
0xd5: {  	v23 =	vadd.s32 v2, v7;
	v9 =	vmul.f32 $8.000000000e+00, v9;
	v20 =	vld [tilespmem:s17+$0x50];
	[tilespmem:v10+s23+$0x0] =	vst.idx.msk $0xffff, v18  }
0xd6: {  	[tilespmem:v13+s23+$0x0] =	vst.idx.msk $0xffff, v14;
	v10 =	vmul.f32 $8.000000000e+00, v24;
	v14 =	vadd.s32 v2, v8;
	v24 =	vld [tilespmem:s16+$0x70]  }
0xd7: {  	v27 =	vadd.s32 v1, v22;
	v25 =	vld [tilespmem:s17+$0xFFFFFF90];
	[tilespmem:v12+s23+$0x0] =	vst.idx.msk $0xffff, v9;
	v9 =	vmul.f32 $8.000000000e+00, v16  }
0xd8: {  	v29 =	vadd.s32 v3, v5;
	v5 =	vmov v22;
	v28 =	vld [tilespmem:s17+$0xFFFFFFD0];
	[tilespmem:v11+s23+$0x0] =	vst.idx.msk $0xffff, v10;
	v10 =	vmul.f32 $8.000000000e+00, v17  }
.Ltmp2:
0xd9: {  	v18 =	vadd.s32 v1, v4;
	v13 =	vld [tilespmem:s17+$0x10];
	v11 =	vmul.f32 $8.000000000e+00, v15;
	[tilespmem:v19+s23+$0x0] =	vst.idx.msk $0xffff, v9;
	(pc) =	sbr.rel @p2 .LBB2_7-.Ltmp2, $4  }
0xda: {  	v16 =	vadd.s32 v1, v21;
	v15 =	vmul.f32 $8.000000000e+00, v20;
	v12 =	vld [tilespmem:s16+$0xFFFFFFF0];
	[tilespmem:v23+s23+$0x0] =	vst.idx.msk $0xffff, v10  }
0xdb: {  	v9 =	vmov s19;
	v10 =	vadd.s32 v1, v26;
	[tilespmem:v14+s23+$0x0] =	vst.idx.msk $0xffff, v11;
	v11 =	vld [tilespmem:s16+$0x30];
	v23 =	vmul.f32 $8.000000000e+00, v24  }
0xdc: {  	s5 =	sadd.s32 $0x3, s19;
	v9 =	vand.u32 $0x7C, v9;
	v20 =	vmul.f32 $8.000000000e+00, v25;
	[tilespmem:v27+s23+$0x0] =	vst.idx.msk $0xffff, v15;
	v14 =	vld [tilespmem:s16+$0xFFFFFFB0];
	v15 =	vadd.s32 v3, v6;
	v6 =	vmovc v21;
	s16 =	smov.u32 s17;
	s17 =	sadd.s32 $0x100, s17  }
0xdd: {  	v22 =	vmov s5;
	v17 =	vadd.s32 v3, v7;
	v7 =	vmovc v26;
	s19 =	sadd.s32 $0x4, s19;
	v19 =	vld [tilespmem:s17+$0x40];
	v21 =	vmul.f32 $8.000000000e+00, v28;
	[tilespmem:v29+s23+$0x0] =	vst.idx.msk $0xffff, v23  }
0xde: {  	s5 =	sadd.s32 $0x1, s18;
	v22 =	vand.u32 $0x7F, v22;
	v28 =	vld [tilespmem:s17+$0xFFFFFF80]  }
0xdf: {  	s18 =	sadd.s32 $0x2, s18;
	v24 =	vld [tilespmem:s17+$0xFFFFFFC0];
	v23 =	vmov s5;
	v25 =	vadd.s32 v0, v22  }
0xe0: {  	v27 =	vld [tilespmem:s17+$0x0];
	v51 =	vadd.s32 v0, v9;
	v26 =	vmov s18;
	v23 =	vand.u32 $0x7D, v23  }
0xe1: {  	v26 =	vand.u32 $0x7E, v26;
	v29 =	vadd.s32 v0, v23  }
0xe2: {  	[tilespmem:v18+s23+$0x0] =	vst.idx.msk $0xffff, v20;
	v30 =	vadd.s32 v0, v26;
	v19 =	vmul.f32 $8.000000000e+00, v19  }
0xe3: {  	[tilespmem:v16+s23+$0x0] =	vst.idx.msk $0xffff, v21;
	v54 =	vmul.f32 $8.000000000e+00, v28  }
0xe4: {  	v52 =	vmul.f32 $8.000000000e+00, v24;
	[tilespmem:v25+s23+$0x0] =	vst.idx.msk $0xffff, v19  }
0xe5: {  	v53 =	vmul.f32 $8.000000000e+00, v27;
	v55 =	vld [tilespmem:s17+$0x50];
	[tilespmem:v51+s23+$0x0] =	vst.idx.msk $0xffff, v54  }
0xe6: {  	v13 =	vmul.f32 $8.000000000e+00, v13;
	v8 =	vadd.s32 v3, v8;
	[tilespmem:v29+s23+$0x0] =	vst.idx.msk $0xffff, v52;
	v59 =	vld [tilespmem:s17+$0xFFFFFF90]  }
0xe7: {  	v12 =	vmul.f32 $8.000000000e+00, v12;
	v57 =	vadd.s32 v1, v22;
	[tilespmem:v30+s23+$0x0] =	vst.idx.msk $0xffff, v53;
	v56 =	vld [tilespmem:s17+$0xFFFFFFD0]  }
0xe8: {  	[tilespmem:v10+s23+$0x0] =	vst.idx.msk $0xffff, v13;
	v58 =	vmul.f32 $8.000000000e+00, v11;
	v28 =	vadd.s32 v1, v9;
	v19 =	vld [tilespmem:s17+$0x10]  }
0xe9: {  	v61 =	vld [tilespmem:s16+$0x60];
	v60 =	vadd.s32 v1, v23;
	v14 =	vmul.f32 $8.000000000e+00, v14;
	[tilespmem:v15+s23+$0x0] =	vst.idx.msk $0xffff, v12  }
0xea: {  	v32 =	vld [tilespmem:s16+$0xFFFFFFA0];
	v62 =	vadd.s32 v1, v26;
	[tilespmem:v17+s23+$0x0] =	vst.idx.msk $0xffff, v58;
	v16 =	vmul.f32 $8.000000000e+00, v55  }
0xeb: {  	[tilespmem:v8+s23+$0x0] =	vst.idx.msk $0xffff, v14;
	v29 =	vadd.s32 v2, v5;
	v30 =	vld [tilespmem:s16+$0x20];
	v11 =	vmul.f32 $8.000000000e+00, v59  }
0xec: {  	v38 =	vadd.s32 v2, v4;
	v63 =	vld [tilespmem:s16+$0xFFFFFFE0];
	v31 =	vmul.f32 $8.000000000e+00, v56;
	[tilespmem:v57+s23+$0x0] =	vst.idx.msk $0xffff, v16  }
0xed: {  	v35 =	vadd.s32 v2, v7;
	v34 =	vmul.f32 $8.000000000e+00, v19;
	v36 =	vld [tilespmem:s17+$0x60];
	[tilespmem:v28+s23+$0x0] =	vst.idx.msk $0xffff, v11  }
0xee: {  	v33 =	vadd.s32 v2, v6;
	v37 =	vmul.f32 $8.000000000e+00, v61;
	[tilespmem:v60+s23+$0x0] =	vst.idx.msk $0xffff, v31;
	v43 =	vld [tilespmem:s17+$0xFFFFFFA0]  }
0xef: {  	v40 =	vadd.s32 v2, v22;
	v14 =	vmul.f32 $8.000000000e+00, v32;
	[tilespmem:v62+s23+$0x0] =	vst.idx.msk $0xffff, v34;
	v39 =	vld [tilespmem:s17+$0xFFFFFFE0]  }
0xf0: {  	v48 =	vadd.s32 v2, v9;
	[tilespmem:v29+s23+$0x0] =	vst.idx.msk $0xffff, v37;
	v42 =	vmul.f32 $8.000000000e+00, v30;
	v41 =	vld [tilespmem:s17+$0x20]  }
0xf1: {  	v44 =	vadd.s32 v2, v23;
	v15 =	vmul.f32 $8.000000000e+00, v63;
	[tilespmem:v38+s23+$0x0] =	vst.idx.msk $0xffff, v14;
	v45 =	vld [tilespmem:s16+$0x70]  }
0xf2: {  	v46 =	vadd.s32 v2, v26;
	v14 =	vld [tilespmem:s16+$0xFFFFFFB0];
	[tilespmem:v35+s23+$0x0] =	vst.idx.msk $0xffff, v42;
	v47 =	vmul.f32 $8.000000000e+00, v36  }
0xf3: {  	v5 =	vadd.s32 v3, v5;
	[tilespmem:v33+s23+$0x0] =	vst.idx.msk $0xffff, v15;
	v49 =	vld [tilespmem:s16+$0x30];
	v53 =	vmul.f32 $8.000000000e+00, v43  }
0xf4: {  	v4 =	vadd.s32 v3, v4;
	v21 =	vld [tilespmem:s16+$0xFFFFFFF0];
	v12 =	vmul.f32 $8.000000000e+00, v39;
	[tilespmem:v40+s23+$0x0] =	vst.idx.msk $0xffff, v47  }
0xf5: {  	v52 =	vadd.s32 v3, v7;
	v51 =	vmul.f32 $8.000000000e+00, v41;
	v10 =	vld [tilespmem:s17+$0x70];
	[tilespmem:v48+s23+$0x0] =	vst.idx.msk $0xffff, v53  }
0xf6: {  	v50 =	vadd.s32 v3, v6;
	v54 =	vmul.f32 $8.000000000e+00, v45;
	[tilespmem:v44+s23+$0x0] =	vst.idx.msk $0xffff, v12;
	v59 =	vld [tilespmem:s17+$0xFFFFFFB0]  }
0xf7: {  	v57 =	vadd.s32 v3, v22;
	v14 =	vmul.f32 $8.000000000e+00, v14;
	[tilespmem:v46+s23+$0x0] =	vst.idx.msk $0xffff, v51;
	v55 =	vld [tilespmem:s17+$0xFFFFFFF0]  }
0xf8: {  	v62 =	vadd.s32 v3, v9;
	[tilespmem:v5+s23+$0x0] =	vst.idx.msk $0xffff, v54;
	v5 =	vmul.f32 $8.000000000e+00, v49;
	v58 =	vld [tilespmem:s17+$0x30]  }
0xf9: {  	v56 =	vmul.f32 $8.000000000e+00, v21;
	v60 =	vadd.s32 v3, v23;
	[tilespmem:v4+s23+$0x0] =	vst.idx.msk $0xffff, v14  }
0xfa: {  	v61 =	vadd.s32 v3, v26;
	[tilespmem:v52+s23+$0x0] =	vst.idx.msk $0xffff, v5;
	v5 =	vmul.f32 $8.000000000e+00, v10  }
0xfb: {  	[tilespmem:v50+s23+$0x0] =	vst.idx.msk $0xffff, v56;
	v63 =	vmul.f32 $8.000000000e+00, v59  }
0xfc: {  	v4 =	vmul.f32 $8.000000000e+00, v55;
	[tilespmem:v57+s23+$0x0] =	vst.idx.msk $0xffff, v5  }
0xfd: {  	v5 =	vmul.f32 $8.000000000e+00, v58;
	[tilespmem:v62+s23+$0x0] =	vst.idx.msk $0xffff, v63  }
0xfe: {  	[tilespmem:v60+s23+$0x0] =	vst.idx.msk $0xffff, v4  }
0xff: {  	s10 =	simm.s32 @!p1 $0x80;
	s5 =	sadd.s32 @!p1 $0x280, s14;
	s16 =	simm.s32 @!p1 $0x8400;
	[tilespmem:v61+s23+$0x0] =	vst.idx.msk $0xffff, v5  }
0x100: {  	[tilespmem:s16], [sflag:$0x2] =	stream.indirect.gather @!p1 [hbm4b:s4+s10], $0x40, s5, s10, $0xb8;
	[tilespmem:$0x16C00] =	vst v63  }
0x101: {  	s19 =	simm.s32 $0x10600;
	s10 =	sadd.s32 s15, s7  }
0x102: {  	[hbm4b:s10+s3] =	stream.linear.scatter [tilespmem:s19], [sflag:$0x6], $0x80, $0x38;
	[tilespmem:$0x16C00] =	vst v63  }
0x103: {  	s16 =	simm.s32 $0x10688;
	s17 =	sadd.s32 $0x10, s10  }
0x104: {  	[hbm4b:s17+s3] =	stream.linear.scatter [tilespmem:s16], [sflag:$0x6], $0x80, $0x38;
	[tilespmem:$0x16C00] =	vst v63  }
0x105: {  	s18 =	simm.s32 $0x10710;
	s19 =	sadd.s32 $0x20, s10  }
0x106: {  	[hbm4b:s19+s3] =	stream.linear.scatter [tilespmem:s18], [sflag:$0x6], $0x80, $0x38;
	[tilespmem:$0x16C00] =	vst v63  }
0x107: {  	s16 =	simm.s32 $0x10798;
	s17 =	sadd.s32 $0x30, s10  }
0x108: {  	[hbm4b:s17+s3] =	stream.linear.scatter [tilespmem:s16], [sflag:$0x6], $0x80, $0x38;
	[tilespmem:$0x16C00] =	vst v63  }
0x109: {  	s18 =	simm.s32 $0x10820;
	s19 =	sadd.s32 $0x40, s10  }
0x10a: {  	[hbm4b:s19+s3] =	stream.linear.scatter [tilespmem:s18], [sflag:$0x6], $0x80, $0x38;
	[tilespmem:$0x16C00] =	vst v63  }
0x10b: {  	s5 =	sadd.s32 $0x70, s10;
	s16 =	simm.s32 $0x108A8;
	s17 =	sadd.s32 $0x50, s10  }
0x10c: {  	[hbm4b:s17+s3] =	stream.linear.scatter [tilespmem:s16], [sflag:$0x6], $0x80, $0x38;
	[tilespmem:$0x16C00] =	vst v63  }
0x10d: {  	s18 =	simm.s32 $0x10930;
	s19 =	sadd.s32 $0x60, s10;
	s16 =	simm.s32 $0x440  }
0x10e: {  	[hbm4b:s19+s3] =	stream.linear.scatter [tilespmem:s18], [sflag:$0x6], $0x80, $0x38;
	[tilespmem:$0x16C00] =	vst v63  }
0x10f: {  	s17 =	sadd.s32 $0x1000, s10;
	s18 =	simm.s32 $0x2200;
	s19 =	simm.s32 $0x109B8  }
.LBB2_9:
0x110: {  	[hbm4b:s5+s3] =	stream.linear.scatter [tilespmem:s19], [sflag:$0x6], $0x80, $0x38;
	[tilespmem:$0x16C00] =	vst v63  }
0x111: {  	s5 =	smov.u32 s16;
	s10 =	smov.u32 s18  }
0x112: {  	s16 =	sshra.s32 s10, $0x2;
	s10 =	sadd.s32 $0x1100, s18;
	s19 =	sadd.s32 $0x10600, s5  }
0x113: {  	[hbm4b:s17+s3] =	stream.linear.scatter [tilespmem:s19], [sflag:$0x6], $0x80, $0x38;
	[tilespmem:$0x16C00] =	vst v63  }
0x114: {  	p2 =	sne.s32 s18, $0x7700;
	s18 =	sadd.s32 $0x10688, s5;
	s19 =	sadd.s32 $0x10, s17  }
0x115: {  	[hbm4b:s19+s3] =	stream.linear.scatter [tilespmem:s18], [sflag:$0x6], $0x80, $0x38;
	[tilespmem:$0x16C00] =	vst v63  }
0x116: {  	s18 =	sadd.s32 $0x10710, s5;
	s19 =	sadd.s32 $0x20, s17  }
0x117: {  	[hbm4b:s19+s3] =	stream.linear.scatter [tilespmem:s18], [sflag:$0x6], $0x80, $0x38;
	[tilespmem:$0x16C00] =	vst v63  }
0x118: {  	s18 =	sadd.s32 $0x10798, s5;
	s19 =	sadd.s32 $0x30, s17  }
0x119: {  	[hbm4b:s19+s3] =	stream.linear.scatter [tilespmem:s18], [sflag:$0x6], $0x80, $0x38;
	[tilespmem:$0x16C00] =	vst v63  }
0x11a: {  	s18 =	sadd.s32 $0x10820, s5;
	s19 =	sadd.s32 $0x40, s17  }
0x11b: {  	[hbm4b:s19+s3] =	stream.linear.scatter [tilespmem:s18], [sflag:$0x6], $0x80, $0x38;
	[tilespmem:$0x16C00] =	vst v63  }
0x11c: {  	s18 =	sadd.s32 $0x108A8, s5;
	s19 =	sadd.s32 $0x50, s17  }
0x11d: {  	[hbm4b:s19+s3] =	stream.linear.scatter [tilespmem:s18], [sflag:$0x6], $0x80, $0x38;
	[tilespmem:$0x16C00] =	vst v63  }
.Ltmp3:
0x11e: {  	_ = 	snop;
	(pc) =	sbr.rel @p2 .LBB2_9-.Ltmp3, $4  }
0x11f: {  	s18 =	sadd.s32 $0x10930, s5;
	s19 =	sadd.s32 $0x60, s17  }
0x120: {  	[hbm4b:s19+s3] =	stream.linear.scatter [tilespmem:s18], [sflag:$0x6], $0x80, $0x38;
	[tilespmem:$0x16C00] =	vst v63  }
0x121: {  	s19 =	sadd.s32 $0x109B8, s5  }
0x122: {  	s5 =	sadd.s32 $0x70, s17;
	s17 =	sadd.s32 $0x1000, s17;
	s18 =	smov.u32 s10  }
0x123: {  	[hbm4b:s5+s3] =	stream.linear.scatter [tilespmem:s19], [sflag:$0x6], $0x80, $0x38;
	[tilespmem:$0x16C00] =	vst v63  }
0x124: {  	s18 =	sadd.s32 $0x10600, s16  }
0x125: {  	[hbm4b:s17+s3] =	stream.linear.scatter [tilespmem:s18], [sflag:$0x6], $0x80, $0x38;
	[tilespmem:$0x16C00] =	vst v63  }
0x126: {  	s19 =	sadd.s32 $0x10688, s16;
	s10 =	sadd.s32 $0x10, s17  }
0x127: {  	[hbm4b:s10+s3] =	stream.linear.scatter [tilespmem:s19], [sflag:$0x6], $0x80, $0x38;
	[tilespmem:$0x16C00] =	vst v63  }
0x128: {  	s18 =	sadd.s32 $0x10710, s16;
	s19 =	sadd.s32 $0x20, s17  }
0x129: {  	[hbm4b:s19+s3] =	stream.linear.scatter [tilespmem:s18], [sflag:$0x6], $0x80, $0x38;
	[tilespmem:$0x16C00] =	vst v63  }
0x12a: {  	s18 =	sadd.s32 $0x10798, s16;
	s19 =	sadd.s32 $0x30, s17  }
0x12b: {  	[hbm4b:s19+s3] =	stream.linear.scatter [tilespmem:s18], [sflag:$0x6], $0x80, $0x38;
	[tilespmem:$0x16C00] =	vst v63  }
0x12c: {  	s18 =	sadd.s32 $0x10820, s16;
	s19 =	sadd.s32 $0x40, s17  }
0x12d: {  	[hbm4b:s19+s3] =	stream.linear.scatter [tilespmem:s18], [sflag:$0x6], $0x80, $0x38;
	[tilespmem:$0x16C00] =	vst v63  }
0x12e: {  	s18 =	sadd.s32 $0x108A8, s16;
	s19 =	sadd.s32 $0x50, s17  }
0x12f: {  	[hbm4b:s19+s3] =	stream.linear.scatter [tilespmem:s18], [sflag:$0x6], $0x80, $0x38;
	[tilespmem:$0x16C00] =	vst v63  }
0x130: {  	s18 =	sadd.s32 $0x10930, s16;
	s19 =	sadd.s32 $0x60, s17  }
0x131: {  	[hbm4b:s19+s3] =	stream.linear.scatter [tilespmem:s18], [sflag:$0x6], $0x80, $0x38;
	[tilespmem:$0x16C00] =	vst v63  }
0x132: {  	s10 =	sadd.s32 $0x109B8, s16;
	s16 =	sadd.s32 $0x70, s17  }
0x133: {  	[hbm4b:s16+s3] =	stream.linear.scatter [tilespmem:s10], [sflag:$0x6], $0x80, $0x38;
	[tilespmem:$0x16C00] =	vst v63  }
0x134: {  	_ =	swait.ge [sflag:s24], $0x2000  }
0x135: {  	[sflag:s24] =	ssyncset.done $0x0  }
0x136: {  	s5 =	simm.s32 @!p0 $0x7;
	[sflag:s24] =	ssyncadd.s32 $0xFFFFE000  }
0x137: {  	_ =	swait.ge @!p0 [sflag:s5], $0x2000  }
0x138: {  	[sflag:s5] =	ssyncset.done @!p0 $0x0  }
0x139: {  	s17 =	simm.s32 $0x3;
	s19 =	simm.s32 $0xA480;
	[sflag:s5] =	ssyncadd.s32 @!p0 $0xFFFFE000  }
0x13a: {  	v4 =	vmov s17;
	v5 =	vld [tilespmem:s19+$0x40]  }
0x13b: {  	v9 =	vand.u32 $0x7F, v4  }
0x13c: {  	s18 =	simm.s32 $0x0;
	v4 =	vadd.s32 v0, v9  }
0x13d: {  	v6 =	vmov s18;
	s10 =	simm.s32 $0x1;
	s16 =	simm.s32 $0x2;
	v7 =	vld [tilespmem:s19+$0xFFFFFF80]  }
0x13e: {  	v8 =	vand.u32 $0x7C, v6;
	v6 =	vmov s10;
	v11 =	vmov s16;
	v10 =	vld [tilespmem:s19+$0xFFFFFFC0]  }
0x13f: {  	v12 =	vadd.s32 v0, v8;
	v15 =	vand.u32 $0x7D, v6;
	v6 =	vld [tilespmem:s19+$0x0];
	v5 =	vmul.f32 $8.000000000e+00, v5  }
0x140: {  	v17 =	vand.u32 $0x7E, v11;
	v13 =	vadd.s32 v0, v15  }
0x141: {  	v11 =	vadd.s32 v0, v17;
	[tilespmem:v4+s25+$0x0] =	vst.idx.msk $0xffff, v5  }
0x142: {  	v4 =	vmul.f32 $8.000000000e+00, v7;
	v5 =	vld [tilespmem:s19+$0x50]  }
0x143: {  	v7 =	vmul.f32 $8.000000000e+00, v10  }
0x144: {  	[tilespmem:v12+s25+$0x0] =	vst.idx.msk $0xffff, v4;
	v4 =	vmul.f32 $8.000000000e+00, v6;
	v6 =	vadd.s32 v1, v9  }
0x145: {  	[tilespmem:v13+s25+$0x0] =	vst.idx.msk $0xffff, v7;
	v10 =	vld [tilespmem:s19+$0xFFFFFF90]  }
0x146: {  	v7 =	vld [tilespmem:s19+$0xFFFFFFD0];
	[tilespmem:v11+s25+$0x0] =	vst.idx.msk $0xffff, v4  }
0x147: {  	v11 =	vld [tilespmem:s19+$0x10];
	v4 =	vmul.f32 $8.000000000e+00, v5  }
0x148: {  	s17 =	simm.s32 $0x4;
	s18 =	simm.s32 $0x7;
	s16 =	simm.s32 $0xA580;
	v12 =	vadd.s32 v1, v15  }
0x149: {  	v14 =	vld [tilespmem:s16+$0x40];
	v13 =	vadd.s32 v1, v17;
	v5 =	vmov s17;
	[tilespmem:v6+s25+$0x0] =	vst.idx.msk $0xffff, v4;
	v6 =	vmov s18  }
0x14a: {  	v16 =	vadd.s32 v1, v8;
	v4 =	vand.u32 $0x7C, v5;
	v5 =	vand.u32 $0x7F, v6;
	v18 =	vld [tilespmem:s19+$0x60]  }
0x14b: {  	v22 =	vadd.s32 v2, v9;
	v19 =	vld [tilespmem:s16+$0xFFFFFF80];
	s17 =	simm.s32 $0x5;
	v6 =	vmul.f32 $8.000000000e+00, v7;
	v20 =	vadd.s32 v0, v5  }
0x14c: {  	v21 =	vld [tilespmem:s16+$0xFFFFFFC0];
	v10 =	vmul.f32 $8.000000000e+00, v10;
	s18 =	simm.s32 $0x6;
	v7 =	vmul.f32 $8.000000000e+00, v11;
	v11 =	vmov s17  }
0x14d: {  	v23 =	vadd.s32 v0, v4;
	[tilespmem:v12+s25+$0x0] =	vst.idx.msk $0xffff, v6;
	v12 =	vmov s18;
	v6 =	vand.u32 $0x7D, v11;
	v11 =	vld [tilespmem:s16+$0x0]  }
0x14e: {  	[tilespmem:v13+s25+$0x0] =	vst.idx.msk $0xffff, v7;
	v13 =	vadd.s32 v0, v6;
	v7 =	vand.u32 $0x7E, v12;
	v12 =	vmul.f32 $8.000000000e+00, v14;
	v14 =	vld [tilespmem:s19+$0xFFFFFFE0]  }
0x14f: {  	[tilespmem:v16+s25+$0x0] =	vst.idx.msk $0xffff, v10;
	v10 =	vadd.s32 v0, v7;
	v16 =	vld [tilespmem:s19+$0x20];
	v18 =	vmul.f32 $8.000000000e+00, v18  }
0x150: {  	v19 =	vmul.f32 $8.000000000e+00, v19;
	[tilespmem:v20+s25+$0x0] =	vst.idx.msk $0xffff, v12;
	v12 =	vld [tilespmem:s19+$0xFFFFFFA0];
	v20 =	vadd.s32 v2, v15  }
0x151: {  	v25 =	vadd.s32 v2, v17;
	v21 =	vmul.f32 $8.000000000e+00, v21;
	v24 =	vld [tilespmem:s16+$0x50];
	[tilespmem:v22+s25+$0x0] =	vst.idx.msk $0xffff, v18  }
0x152: {  	[tilespmem:v23+s25+$0x0] =	vst.idx.msk $0xffff, v19;
	v19 =	vadd.s32 v2, v8;
	v11 =	vmul.f32 $8.000000000e+00, v11;
	v22 =	vld [tilespmem:s19+$0x70]  }
0x153: {  	v23 =	vld [tilespmem:s16+$0xFFFFFF90];
	[tilespmem:v13+s25+$0x0] =	vst.idx.msk $0xffff, v21;
	v21 =	vadd.s32 v1, v5;
	v14 =	vmul.f32 $8.000000000e+00, v14  }
0x154: {  	v27 =	vadd.s32 v3, v9;
	v26 =	vld [tilespmem:s16+$0xFFFFFFD0];
	[tilespmem:v10+s25+$0x0] =	vst.idx.msk $0xffff, v11;
	v10 =	vmul.f32 $8.000000000e+00, v16  }
0x155: {  	v18 =	vadd.s32 v1, v4;
	v13 =	vld [tilespmem:s16+$0x10];
	v9 =	vmul.f32 $8.000000000e+00, v12;
	[tilespmem:v20+s25+$0x0] =	vst.idx.msk $0xffff, v14  }
0x156: {  	s18 =	simm.s32 $0x8;
	v16 =	vadd.s32 v1, v6;
	[tilespmem:v25+s25+$0x0] =	vst.idx.msk $0xffff, v10;
	v14 =	vmul.f32 $8.000000000e+00, v24;
	v12 =	vld [tilespmem:s19+$0xFFFFFFF0]  }
0x157: {  	v20 =	vmov s18;
	v10 =	vadd.s32 v1, v7;
	v11 =	vld [tilespmem:s19+$0x30];
	[tilespmem:v19+s25+$0x0] =	vst.idx.msk $0xffff, v9;
	v63 =	vmul.f32 $8.000000000e+00, v22  }
0x158: {  	s10 =	simm.s32 $0xB;
	s17 =	simm.s32 $0xA680;
	v15 =	vadd.s32 v3, v15;
	v9 =	vand.u32 $0x7C, v20;
	v20 =	vmul.f32 $8.000000000e+00, v23;
	[tilespmem:v21+s25+$0x0] =	vst.idx.msk $0xffff, v14;
	v14 =	vld [tilespmem:s19+$0xFFFFFFB0]  }
0x159: {  	v17 =	vadd.s32 v3, v17;
	v22 =	vmov s10;
	v19 =	vld [tilespmem:s17+$0x40];
	s19 =	simm.s32 $0xC;
	v21 =	vmul.f32 $8.000000000e+00, v26;
	[tilespmem:v27+s25+$0x0] =	vst.idx.msk $0xffff, v63  }
.LBB2_11:
0x15a: {  	p2 =	slt.u32 s19, $0x7C;
	s5 =	sadd.s32 $0x1, s18;
	v22 =	vand.u32 $0x7F, v22;
	[tilespmem:v18+s25+$0x0] =	vst.idx.msk $0xffff, v20;
	v13 =	vmul.f32 $8.000000000e+00, v13;
	v18 =	vld [tilespmem:s16+$0x60];
	v20 =	vadd.s32 v3, v8;
	v8 =	vmovc v4  }
0x15b: {  	v4 =	vmovc v9;
	v23 =	vld [tilespmem:s17+$0xFFFFFF80];
	v24 =	vmov s5;
	s5 =	sadd.s32 $0x2, s18;
	v25 =	vadd.s32 v0, v22;
	[tilespmem:v16+s25+$0x0] =	vst.idx.msk $0xffff, v21;
	v12 =	vmul.f32 $8.000000000e+00, v12;
	s18 =	smov.u32 s19  }
0x15c: {  	v9 =	vld [tilespmem:s17+$0xFFFFFFC0];
	v16 =	vmov s5;
	[tilespmem:v10+s25+$0x0] =	vst.idx.msk $0xffff, v13;
	v10 =	vadd.s32 v2, v5;
	v11 =	vmul.f32 $8.000000000e+00, v11  }
0x15d: {  	v13 =	vadd.s32 v0, v4;
	v21 =	vand.u32 $0x7D, v24;
	v24 =	vld [tilespmem:s17+$0x0];
	v14 =	vmul.f32 $8.000000000e+00, v14;
	[tilespmem:v15+s25+$0x0] =	vst.idx.msk $0xffff, v12  }
0x15e: {  	v12 =	vadd.s32 v0, v21;
	v26 =	vand.u32 $0x7E, v16;
	v15 =	vmul.f32 $8.000000000e+00, v19;
	v16 =	vld [tilespmem:s16+$0xFFFFFFE0];
	[tilespmem:v17+s25+$0x0] =	vst.idx.msk $0xffff, v11  }
0x15f: {  	v11 =	vadd.s32 v0, v26;
	v17 =	vld [tilespmem:s16+$0x20];
	v18 =	vmul.f32 $8.000000000e+00, v18;
	[tilespmem:v20+s25+$0x0] =	vst.idx.msk $0xffff, v14  }
0x160: {  	v19 =	vadd.s32 v2, v6;
	v14 =	vmul.f32 $8.000000000e+00, v23;
	[tilespmem:v25+s25+$0x0] =	vst.idx.msk $0xffff, v15;
	v15 =	vld [tilespmem:s16+$0xFFFFFFA0]  }
0x161: {  	v23 =	vadd.s32 v2, v7;
	v9 =	vmul.f32 $8.000000000e+00, v9;
	v20 =	vld [tilespmem:s17+$0x50];
	[tilespmem:v10+s25+$0x0] =	vst.idx.msk $0xffff, v18  }
0x162: {  	[tilespmem:v13+s25+$0x0] =	vst.idx.msk $0xffff, v14;
	v10 =	vmul.f32 $8.000000000e+00, v24;
	v14 =	vadd.s32 v2, v8;
	v24 =	vld [tilespmem:s16+$0x70]  }
0x163: {  	v27 =	vadd.s32 v1, v22;
	v25 =	vld [tilespmem:s17+$0xFFFFFF90];
	[tilespmem:v12+s25+$0x0] =	vst.idx.msk $0xffff, v9;
	v9 =	vmul.f32 $8.000000000e+00, v16  }
0x164: {  	v29 =	vadd.s32 v3, v5;
	v5 =	vmov v22;
	v28 =	vld [tilespmem:s17+$0xFFFFFFD0];
	[tilespmem:v11+s25+$0x0] =	vst.idx.msk $0xffff, v10;
	v10 =	vmul.f32 $8.000000000e+00, v17  }
.Ltmp4:
0x165: {  	v18 =	vadd.s32 v1, v4;
	v13 =	vld [tilespmem:s17+$0x10];
	v11 =	vmul.f32 $8.000000000e+00, v15;
	[tilespmem:v19+s25+$0x0] =	vst.idx.msk $0xffff, v9;
	(pc) =	sbr.rel @p2 .LBB2_11-.Ltmp4, $4  }
0x166: {  	v16 =	vadd.s32 v1, v21;
	v15 =	vmul.f32 $8.000000000e+00, v20;
	v12 =	vld [tilespmem:s16+$0xFFFFFFF0];
	[tilespmem:v23+s25+$0x0] =	vst.idx.msk $0xffff, v10  }
0x167: {  	v9 =	vmov s19;
	v10 =	vadd.s32 v1, v26;
	[tilespmem:v14+s25+$0x0] =	vst.idx.msk $0xffff, v11;
	v11 =	vld [tilespmem:s16+$0x30];
	v23 =	vmul.f32 $8.000000000e+00, v24  }
0x168: {  	s5 =	sadd.s32 $0x3, s19;
	v9 =	vand.u32 $0x7C, v9;
	v20 =	vmul.f32 $8.000000000e+00, v25;
	[tilespmem:v27+s25+$0x0] =	vst.idx.msk $0xffff, v15;
	v14 =	vld [tilespmem:s16+$0xFFFFFFB0];
	v15 =	vadd.s32 v3, v6;
	v6 =	vmovc v21;
	s16 =	smov.u32 s17;
	s17 =	sadd.s32 $0x100, s17  }
0x169: {  	v22 =	vmov s5;
	v17 =	vadd.s32 v3, v7;
	v7 =	vmovc v26;
	s19 =	sadd.s32 $0x4, s19;
	v19 =	vld [tilespmem:s17+$0x40];
	v21 =	vmul.f32 $8.000000000e+00, v28;
	[tilespmem:v29+s25+$0x0] =	vst.idx.msk $0xffff, v23  }
0x16a: {  	s5 =	sadd.s32 $0x1, s18;
	v22 =	vand.u32 $0x7F, v22;
	v28 =	vld [tilespmem:s17+$0xFFFFFF80]  }
0x16b: {  	s18 =	sadd.s32 $0x2, s18;
	v24 =	vld [tilespmem:s17+$0xFFFFFFC0];
	v23 =	vmov s5;
	v25 =	vadd.s32 v0, v22  }
0x16c: {  	v27 =	vld [tilespmem:s17+$0x0];
	v51 =	vadd.s32 v0, v9;
	v26 =	vmov s18;
	v23 =	vand.u32 $0x7D, v23  }
0x16d: {  	v26 =	vand.u32 $0x7E, v26;
	v29 =	vadd.s32 v0, v23  }
0x16e: {  	[tilespmem:v18+s25+$0x0] =	vst.idx.msk $0xffff, v20;
	v30 =	vadd.s32 v0, v26;
	v19 =	vmul.f32 $8.000000000e+00, v19  }
0x16f: {  	[tilespmem:v16+s25+$0x0] =	vst.idx.msk $0xffff, v21;
	v54 =	vmul.f32 $8.000000000e+00, v28  }
0x170: {  	v52 =	vmul.f32 $8.000000000e+00, v24;
	[tilespmem:v25+s25+$0x0] =	vst.idx.msk $0xffff, v19  }
0x171: {  	v53 =	vmul.f32 $8.000000000e+00, v27;
	v55 =	vld [tilespmem:s17+$0x50];
	[tilespmem:v51+s25+$0x0] =	vst.idx.msk $0xffff, v54  }
0x172: {  	v13 =	vmul.f32 $8.000000000e+00, v13;
	v8 =	vadd.s32 v3, v8;
	[tilespmem:v29+s25+$0x0] =	vst.idx.msk $0xffff, v52;
	v59 =	vld [tilespmem:s17+$0xFFFFFF90]  }
0x173: {  	v12 =	vmul.f32 $8.000000000e+00, v12;
	v57 =	vadd.s32 v1, v22;
	[tilespmem:v30+s25+$0x0] =	vst.idx.msk $0xffff, v53;
	v56 =	vld [tilespmem:s17+$0xFFFFFFD0]  }
0x174: {  	[tilespmem:v10+s25+$0x0] =	vst.idx.msk $0xffff, v13;
	v58 =	vmul.f32 $8.000000000e+00, v11;
	v28 =	vadd.s32 v1, v9;
	v19 =	vld [tilespmem:s17+$0x10]  }
0x175: {  	v61 =	vld [tilespmem:s16+$0x60];
	v60 =	vadd.s32 v1, v23;
	v14 =	vmul.f32 $8.000000000e+00, v14;
	[tilespmem:v15+s25+$0x0] =	vst.idx.msk $0xffff, v12  }
0x176: {  	v32 =	vld [tilespmem:s16+$0xFFFFFFA0];
	v62 =	vadd.s32 v1, v26;
	[tilespmem:v17+s25+$0x0] =	vst.idx.msk $0xffff, v58;
	v16 =	vmul.f32 $8.000000000e+00, v55  }
0x177: {  	[tilespmem:v8+s25+$0x0] =	vst.idx.msk $0xffff, v14;
	v29 =	vadd.s32 v2, v5;
	v30 =	vld [tilespmem:s16+$0x20];
	v11 =	vmul.f32 $8.000000000e+00, v59  }
0x178: {  	v38 =	vadd.s32 v2, v4;
	v63 =	vld [tilespmem:s16+$0xFFFFFFE0];
	v31 =	vmul.f32 $8.000000000e+00, v56;
	[tilespmem:v57+s25+$0x0] =	vst.idx.msk $0xffff, v16  }
0x179: {  	v35 =	vadd.s32 v2, v7;
	v34 =	vmul.f32 $8.000000000e+00, v19;
	v36 =	vld [tilespmem:s17+$0x60];
	[tilespmem:v28+s25+$0x0] =	vst.idx.msk $0xffff, v11  }
0x17a: {  	v33 =	vadd.s32 v2, v6;
	v37 =	vmul.f32 $8.000000000e+00, v61;
	[tilespmem:v60+s25+$0x0] =	vst.idx.msk $0xffff, v31;
	v43 =	vld [tilespmem:s17+$0xFFFFFFA0]  }
0x17b: {  	v40 =	vadd.s32 v2, v22;
	v14 =	vmul.f32 $8.000000000e+00, v32;
	[tilespmem:v62+s25+$0x0] =	vst.idx.msk $0xffff, v34;
	v39 =	vld [tilespmem:s17+$0xFFFFFFE0]  }
0x17c: {  	v48 =	vadd.s32 v2, v9;
	[tilespmem:v29+s25+$0x0] =	vst.idx.msk $0xffff, v37;
	v42 =	vmul.f32 $8.000000000e+00, v30;
	v41 =	vld [tilespmem:s17+$0x20]  }
0x17d: {  	v44 =	vadd.s32 v2, v23;
	v15 =	vmul.f32 $8.000000000e+00, v63;
	[tilespmem:v38+s25+$0x0] =	vst.idx.msk $0xffff, v14;
	v45 =	vld [tilespmem:s16+$0x70]  }
0x17e: {  	v46 =	vadd.s32 v2, v26;
	v14 =	vld [tilespmem:s16+$0xFFFFFFB0];
	[tilespmem:v35+s25+$0x0] =	vst.idx.msk $0xffff, v42;
	v47 =	vmul.f32 $8.000000000e+00, v36  }
0x17f: {  	v5 =	vadd.s32 v3, v5;
	[tilespmem:v33+s25+$0x0] =	vst.idx.msk $0xffff, v15;
	v49 =	vld [tilespmem:s16+$0x30];
	v53 =	vmul.f32 $8.000000000e+00, v43  }
0x180: {  	v4 =	vadd.s32 v3, v4;
	v21 =	vld [tilespmem:s16+$0xFFFFFFF0];
	v12 =	vmul.f32 $8.000000000e+00, v39;
	[tilespmem:v40+s25+$0x0] =	vst.idx.msk $0xffff, v47  }
0x181: {  	v52 =	vadd.s32 v3, v7;
	v51 =	vmul.f32 $8.000000000e+00, v41;
	v10 =	vld [tilespmem:s17+$0x70];
	[tilespmem:v48+s25+$0x0] =	vst.idx.msk $0xffff, v53  }
0x182: {  	v50 =	vadd.s32 v3, v6;
	v54 =	vmul.f32 $8.000000000e+00, v45;
	[tilespmem:v44+s25+$0x0] =	vst.idx.msk $0xffff, v12;
	v59 =	vld [tilespmem:s17+$0xFFFFFFB0]  }
0x183: {  	v57 =	vadd.s32 v3, v22;
	v14 =	vmul.f32 $8.000000000e+00, v14;
	[tilespmem:v46+s25+$0x0] =	vst.idx.msk $0xffff, v51;
	v55 =	vld [tilespmem:s17+$0xFFFFFFF0]  }
0x184: {  	v62 =	vadd.s32 v3, v9;
	[tilespmem:v5+s25+$0x0] =	vst.idx.msk $0xffff, v54;
	v5 =	vmul.f32 $8.000000000e+00, v49;
	v58 =	vld [tilespmem:s17+$0x30]  }
0x185: {  	v56 =	vmul.f32 $8.000000000e+00, v21;
	v60 =	vadd.s32 v3, v23;
	[tilespmem:v4+s25+$0x0] =	vst.idx.msk $0xffff, v14  }
0x186: {  	v61 =	vadd.s32 v3, v26;
	[tilespmem:v52+s25+$0x0] =	vst.idx.msk $0xffff, v5;
	v5 =	vmul.f32 $8.000000000e+00, v10  }
0x187: {  	[tilespmem:v50+s25+$0x0] =	vst.idx.msk $0xffff, v56;
	v63 =	vmul.f32 $8.000000000e+00, v59  }
0x188: {  	v4 =	vmul.f32 $8.000000000e+00, v55;
	[tilespmem:v57+s25+$0x0] =	vst.idx.msk $0xffff, v5  }
0x189: {  	v5 =	vmul.f32 $8.000000000e+00, v58;
	[tilespmem:v62+s25+$0x0] =	vst.idx.msk $0xffff, v63  }
0x18a: {  	[tilespmem:v60+s25+$0x0] =	vst.idx.msk $0xffff, v4  }
0x18b: {  	s10 =	simm.s32 @!p1 $0x80;
	s5 =	sadd.s32 @!p1 $0x300, s14;
	s16 =	simm.s32 @!p1 $0xA400;
	[tilespmem:v61+s25+$0x0] =	vst.idx.msk $0xffff, v5  }
0x18c: {  	[tilespmem:s16], [sflag:$0x3] =	stream.indirect.gather @!p1 [hbm4b:s4+s10], $0x40, s5, s10, $0xb8;
	[tilespmem:$0x16C00] =	vst v63  }
0x18d: {  	s19 =	simm.s32 $0x12800;
	s10 =	sadd.s32 s15, s8  }
0x18e: {  	[hbm4b:s10+s3] =	stream.linear.scatter [tilespmem:s19], [sflag:$0x7], $0x80, $0x38;
	[tilespmem:$0x16C00] =	vst v63  }
0x18f: {  	s16 =	simm.s32 $0x12888;
	s17 =	sadd.s32 $0x10, s10  }
0x190: {  	[hbm4b:s17+s3] =	stream.linear.scatter [tilespmem:s16], [sflag:$0x7], $0x80, $0x38;
	[tilespmem:$0x16C00] =	vst v63  }
0x191: {  	s18 =	simm.s32 $0x12910;
	s19 =	sadd.s32 $0x20, s10  }
0x192: {  	[hbm4b:s19+s3] =	stream.linear.scatter [tilespmem:s18], [sflag:$0x7], $0x80, $0x38;
	[tilespmem:$0x16C00] =	vst v63  }
0x193: {  	s16 =	simm.s32 $0x12998;
	s17 =	sadd.s32 $0x30, s10  }
0x194: {  	[hbm4b:s17+s3] =	stream.linear.scatter [tilespmem:s16], [sflag:$0x7], $0x80, $0x38;
	[tilespmem:$0x16C00] =	vst v63  }
0x195: {  	s18 =	simm.s32 $0x12A20;
	s19 =	sadd.s32 $0x40, s10  }
0x196: {  	[hbm4b:s19+s3] =	stream.linear.scatter [tilespmem:s18], [sflag:$0x7], $0x80, $0x38;
	[tilespmem:$0x16C00] =	vst v63  }
0x197: {  	s5 =	sadd.s32 $0x70, s10;
	s16 =	simm.s32 $0x12AA8;
	s17 =	sadd.s32 $0x50, s10  }
0x198: {  	[hbm4b:s17+s3] =	stream.linear.scatter [tilespmem:s16], [sflag:$0x7], $0x80, $0x38;
	[tilespmem:$0x16C00] =	vst v63  }
0x199: {  	s18 =	simm.s32 $0x12B30;
	s19 =	sadd.s32 $0x60, s10;
	s16 =	simm.s32 $0x440  }
0x19a: {  	[hbm4b:s19+s3] =	stream.linear.scatter [tilespmem:s18], [sflag:$0x7], $0x80, $0x38;
	[tilespmem:$0x16C00] =	vst v63  }
0x19b: {  	s17 =	sadd.s32 $0x1000, s10;
	s18 =	simm.s32 $0x2200;
	s19 =	simm.s32 $0x12BB8  }
.LBB2_13:
0x19c: {  	[hbm4b:s5+s3] =	stream.linear.scatter [tilespmem:s19], [sflag:$0x7], $0x80, $0x38;
	[tilespmem:$0x16C00] =	vst v63  }
0x19d: {  	s5 =	smov.u32 s16;
	s10 =	smov.u32 s18  }
0x19e: {  	s16 =	sshra.s32 s10, $0x2;
	s10 =	sadd.s32 $0x1100, s18;
	s19 =	sadd.s32 $0x12800, s5  }
0x19f: {  	[hbm4b:s17+s3] =	stream.linear.scatter [tilespmem:s19], [sflag:$0x7], $0x80, $0x38;
	[tilespmem:$0x16C00] =	vst v63  }
0x1a0: {  	p2 =	sne.s32 s18, $0x7700;
	s18 =	sadd.s32 $0x12888, s5;
	s19 =	sadd.s32 $0x10, s17  }
0x1a1: {  	[hbm4b:s19+s3] =	stream.linear.scatter [tilespmem:s18], [sflag:$0x7], $0x80, $0x38;
	[tilespmem:$0x16C00] =	vst v63  }
0x1a2: {  	s18 =	sadd.s32 $0x12910, s5;
	s19 =	sadd.s32 $0x20, s17  }
0x1a3: {  	[hbm4b:s19+s3] =	stream.linear.scatter [tilespmem:s18], [sflag:$0x7], $0x80, $0x38;
	[tilespmem:$0x16C00] =	vst v63  }
0x1a4: {  	s18 =	sadd.s32 $0x12998, s5;
	s19 =	sadd.s32 $0x30, s17  }
0x1a5: {  	[hbm4b:s19+s3] =	stream.linear.scatter [tilespmem:s18], [sflag:$0x7], $0x80, $0x38;
	[tilespmem:$0x16C00] =	vst v63  }
0x1a6: {  	s18 =	sadd.s32 $0x12A20, s5;
	s19 =	sadd.s32 $0x40, s17  }
0x1a7: {  	[hbm4b:s19+s3] =	stream.linear.scatter [tilespmem:s18], [sflag:$0x7], $0x80, $0x38;
	[tilespmem:$0x16C00] =	vst v63  }
0x1a8: {  	s18 =	sadd.s32 $0x12AA8, s5;
	s19 =	sadd.s32 $0x50, s17  }
0x1a9: {  	[hbm4b:s19+s3] =	stream.linear.scatter [tilespmem:s18], [sflag:$0x7], $0x80, $0x38;
	[tilespmem:$0x16C00] =	vst v63  }
.Ltmp5:
0x1aa: {  	_ = 	snop;
	(pc) =	sbr.rel @p2 .LBB2_13-.Ltmp5, $4  }
0x1ab: {  	s18 =	sadd.s32 $0x12B30, s5;
	s19 =	sadd.s32 $0x60, s17  }
0x1ac: {  	[hbm4b:s19+s3] =	stream.linear.scatter [tilespmem:s18], [sflag:$0x7], $0x80, $0x38;
	[tilespmem:$0x16C00] =	vst v63  }
0x1ad: {  	s19 =	sadd.s32 $0x12BB8, s5  }
0x1ae: {  	s5 =	sadd.s32 $0x70, s17;
	s17 =	sadd.s32 $0x1000, s17;
	s18 =	smov.u32 s10  }
0x1af: {  	[hbm4b:s5+s3] =	stream.linear.scatter [tilespmem:s19], [sflag:$0x7], $0x80, $0x38;
	[tilespmem:$0x16C00] =	vst v63  }
0x1b0: {  	s18 =	sadd.s32 $0x12800, s16  }
0x1b1: {  	[hbm4b:s17+s3] =	stream.linear.scatter [tilespmem:s18], [sflag:$0x7], $0x80, $0x38;
	[tilespmem:$0x16C00] =	vst v63  }
0x1b2: {  	s19 =	sadd.s32 $0x12888, s16;
	s10 =	sadd.s32 $0x10, s17  }
0x1b3: {  	[hbm4b:s10+s3] =	stream.linear.scatter [tilespmem:s19], [sflag:$0x7], $0x80, $0x38;
	[tilespmem:$0x16C00] =	vst v63  }
0x1b4: {  	s18 =	sadd.s32 $0x12910, s16;
	s19 =	sadd.s32 $0x20, s17  }
0x1b5: {  	[hbm4b:s19+s3] =	stream.linear.scatter [tilespmem:s18], [sflag:$0x7], $0x80, $0x38;
	[tilespmem:$0x16C00] =	vst v63  }
0x1b6: {  	s18 =	sadd.s32 $0x12998, s16;
	s19 =	sadd.s32 $0x30, s17  }
0x1b7: {  	[hbm4b:s19+s3] =	stream.linear.scatter [tilespmem:s18], [sflag:$0x7], $0x80, $0x38;
	[tilespmem:$0x16C00] =	vst v63  }
0x1b8: {  	s18 =	sadd.s32 $0x12A20, s16;
	s19 =	sadd.s32 $0x40, s17  }
0x1b9: {  	[hbm4b:s19+s3] =	stream.linear.scatter [tilespmem:s18], [sflag:$0x7], $0x80, $0x38;
	[tilespmem:$0x16C00] =	vst v63  }
0x1ba: {  	s18 =	sadd.s32 $0x12AA8, s16;
	s19 =	sadd.s32 $0x50, s17  }
0x1bb: {  	[hbm4b:s19+s3] =	stream.linear.scatter [tilespmem:s18], [sflag:$0x7], $0x80, $0x38;
	[tilespmem:$0x16C00] =	vst v63  }
0x1bc: {  	s18 =	sadd.s32 $0x12B30, s16;
	s19 =	sadd.s32 $0x60, s17  }
0x1bd: {  	[hbm4b:s19+s3] =	stream.linear.scatter [tilespmem:s18], [sflag:$0x7], $0x80, $0x38;
	[tilespmem:$0x16C00] =	vst v63  }
0x1be: {  	s10 =	sadd.s32 $0x12BB8, s16;
	s16 =	sadd.s32 $0x70, s17  }
0x1bf: {  	[hbm4b:s16+s3] =	stream.linear.scatter [tilespmem:s10], [sflag:$0x7], $0x80, $0x38;
	[tilespmem:$0x16C00] =	vst v63  }
0x1c0: {  	_ =	swait.ge [sflag:s26], $0x2000  }
0x1c1: {  	[sflag:s26] =	ssyncset.done $0x0  }
0x1c2: {  	s5 =	simm.s32 @!p0 $0x8;
	[sflag:s26] =	ssyncadd.s32 $0xFFFFE000  }
0x1c3: {  	_ =	swait.ge @!p0 [sflag:s5], $0x2000  }
0x1c4: {  	[sflag:s5] =	ssyncset.done @!p0 $0x0  }
0x1c5: {  	s17 =	simm.s32 $0x3;
	s19 =	simm.s32 $0xC480;
	[sflag:s5] =	ssyncadd.s32 @!p0 $0xFFFFE000  }
0x1c6: {  	v4 =	vmov s17;
	v5 =	vld [tilespmem:s19+$0x40]  }
0x1c7: {  	v9 =	vand.u32 $0x7F, v4  }
0x1c8: {  	s18 =	simm.s32 $0x0;
	v4 =	vadd.s32 v0, v9  }
0x1c9: {  	v6 =	vmov s18;
	s10 =	simm.s32 $0x1;
	s16 =	simm.s32 $0x2;
	v7 =	vld [tilespmem:s19+$0xFFFFFF80]  }
0x1ca: {  	v8 =	vand.u32 $0x7C, v6;
	v6 =	vmov s10;
	v11 =	vmov s16;
	v10 =	vld [tilespmem:s19+$0xFFFFFFC0]  }
0x1cb: {  	v12 =	vadd.s32 v0, v8;
	v15 =	vand.u32 $0x7D, v6;
	v6 =	vld [tilespmem:s19+$0x0];
	v5 =	vmul.f32 $8.000000000e+00, v5  }
0x1cc: {  	v17 =	vand.u32 $0x7E, v11;
	v13 =	vadd.s32 v0, v15  }
0x1cd: {  	v11 =	vadd.s32 v0, v17;
	[tilespmem:v4+s28+$0x0] =	vst.idx.msk $0xffff, v5  }
0x1ce: {  	v4 =	vmul.f32 $8.000000000e+00, v7;
	v5 =	vld [tilespmem:s19+$0x50]  }
0x1cf: {  	v7 =	vmul.f32 $8.000000000e+00, v10  }
0x1d0: {  	[tilespmem:v12+s28+$0x0] =	vst.idx.msk $0xffff, v4;
	v4 =	vmul.f32 $8.000000000e+00, v6;
	v6 =	vadd.s32 v1, v9  }
0x1d1: {  	[tilespmem:v13+s28+$0x0] =	vst.idx.msk $0xffff, v7;
	v10 =	vld [tilespmem:s19+$0xFFFFFF90]  }
0x1d2: {  	v7 =	vld [tilespmem:s19+$0xFFFFFFD0];
	[tilespmem:v11+s28+$0x0] =	vst.idx.msk $0xffff, v4  }
0x1d3: {  	v11 =	vld [tilespmem:s19+$0x10];
	v4 =	vmul.f32 $8.000000000e+00, v5  }
0x1d4: {  	s17 =	simm.s32 $0x4;
	s18 =	simm.s32 $0x7;
	s16 =	simm.s32 $0xC580;
	v12 =	vadd.s32 v1, v15  }
0x1d5: {  	v14 =	vld [tilespmem:s16+$0x40];
	v13 =	vadd.s32 v1, v17;
	v5 =	vmov s17;
	[tilespmem:v6+s28+$0x0] =	vst.idx.msk $0xffff, v4;
	v6 =	vmov s18  }
0x1d6: {  	v16 =	vadd.s32 v1, v8;
	v4 =	vand.u32 $0x7C, v5;
	v5 =	vand.u32 $0x7F, v6;
	v18 =	vld [tilespmem:s19+$0x60]  }
0x1d7: {  	v22 =	vadd.s32 v2, v9;
	v19 =	vld [tilespmem:s16+$0xFFFFFF80];
	s17 =	simm.s32 $0x5;
	v6 =	vmul.f32 $8.000000000e+00, v7;
	v20 =	vadd.s32 v0, v5  }
0x1d8: {  	v21 =	vld [tilespmem:s16+$0xFFFFFFC0];
	v10 =	vmul.f32 $8.000000000e+00, v10;
	s18 =	simm.s32 $0x6;
	v7 =	vmul.f32 $8.000000000e+00, v11;
	v11 =	vmov s17  }
0x1d9: {  	v23 =	vadd.s32 v0, v4;
	[tilespmem:v12+s28+$0x0] =	vst.idx.msk $0xffff, v6;
	v12 =	vmov s18;
	v6 =	vand.u32 $0x7D, v11;
	v11 =	vld [tilespmem:s16+$0x0]  }
0x1da: {  	[tilespmem:v13+s28+$0x0] =	vst.idx.msk $0xffff, v7;
	v13 =	vadd.s32 v0, v6;
	v7 =	vand.u32 $0x7E, v12;
	v12 =	vmul.f32 $8.000000000e+00, v14;
	v14 =	vld [tilespmem:s19+$0xFFFFFFE0]  }
0x1db: {  	[tilespmem:v16+s28+$0x0] =	vst.idx.msk $0xffff, v10;
	v10 =	vadd.s32 v0, v7;
	v16 =	vld [tilespmem:s19+$0x20];
	v18 =	vmul.f32 $8.000000000e+00, v18  }
0x1dc: {  	v19 =	vmul.f32 $8.000000000e+00, v19;
	[tilespmem:v20+s28+$0x0] =	vst.idx.msk $0xffff, v12;
	v12 =	vld [tilespmem:s19+$0xFFFFFFA0];
	v20 =	vadd.s32 v2, v15  }
0x1dd: {  	v25 =	vadd.s32 v2, v17;
	v21 =	vmul.f32 $8.000000000e+00, v21;
	v24 =	vld [tilespmem:s16+$0x50];
	[tilespmem:v22+s28+$0x0] =	vst.idx.msk $0xffff, v18  }
0x1de: {  	[tilespmem:v23+s28+$0x0] =	vst.idx.msk $0xffff, v19;
	v19 =	vadd.s32 v2, v8;
	v11 =	vmul.f32 $8.000000000e+00, v11;
	v22 =	vld [tilespmem:s19+$0x70]  }
0x1df: {  	v23 =	vld [tilespmem:s16+$0xFFFFFF90];
	[tilespmem:v13+s28+$0x0] =	vst.idx.msk $0xffff, v21;
	v21 =	vadd.s32 v1, v5;
	v14 =	vmul.f32 $8.000000000e+00, v14  }
0x1e0: {  	v27 =	vadd.s32 v3, v9;
	v26 =	vld [tilespmem:s16+$0xFFFFFFD0];
	[tilespmem:v10+s28+$0x0] =	vst.idx.msk $0xffff, v11;
	v10 =	vmul.f32 $8.000000000e+00, v16  }
0x1e1: {  	v18 =	vadd.s32 v1, v4;
	v13 =	vld [tilespmem:s16+$0x10];
	v9 =	vmul.f32 $8.000000000e+00, v12;
	[tilespmem:v20+s28+$0x0] =	vst.idx.msk $0xffff, v14  }
0x1e2: {  	s18 =	simm.s32 $0x8;
	v16 =	vadd.s32 v1, v6;
	[tilespmem:v25+s28+$0x0] =	vst.idx.msk $0xffff, v10;
	v14 =	vmul.f32 $8.000000000e+00, v24;
	v12 =	vld [tilespmem:s19+$0xFFFFFFF0]  }
0x1e3: {  	v20 =	vmov s18;
	v10 =	vadd.s32 v1, v7;
	v11 =	vld [tilespmem:s19+$0x30];
	[tilespmem:v19+s28+$0x0] =	vst.idx.msk $0xffff, v9;
	v63 =	vmul.f32 $8.000000000e+00, v22  }
0x1e4: {  	s10 =	simm.s32 $0xB;
	s17 =	simm.s32 $0xC680;
	v15 =	vadd.s32 v3, v15;
	v9 =	vand.u32 $0x7C, v20;
	v20 =	vmul.f32 $8.000000000e+00, v23;
	[tilespmem:v21+s28+$0x0] =	vst.idx.msk $0xffff, v14;
	v14 =	vld [tilespmem:s19+$0xFFFFFFB0]  }
0x1e5: {  	v17 =	vadd.s32 v3, v17;
	v22 =	vmov s10;
	v19 =	vld [tilespmem:s17+$0x40];
	s19 =	simm.s32 $0xC;
	v21 =	vmul.f32 $8.000000000e+00, v26;
	[tilespmem:v27+s28+$0x0] =	vst.idx.msk $0xffff, v63  }
.LBB2_15:
0x1e6: {  	p0 =	slt.u32 s19, $0x7C;
	s5 =	sadd.s32 $0x1, s18;
	v22 =	vand.u32 $0x7F, v22;
	[tilespmem:v18+s28+$0x0] =	vst.idx.msk $0xffff, v20;
	v13 =	vmul.f32 $8.000000000e+00, v13;
	v18 =	vld [tilespmem:s16+$0x60];
	v20 =	vadd.s32 v3, v8;
	v8 =	vmovc v4  }
0x1e7: {  	v4 =	vmovc v9;
	v23 =	vld [tilespmem:s17+$0xFFFFFF80];
	v24 =	vmov s5;
	s5 =	sadd.s32 $0x2, s18;
	v25 =	vadd.s32 v0, v22;
	[tilespmem:v16+s28+$0x0] =	vst.idx.msk $0xffff, v21;
	v12 =	vmul.f32 $8.000000000e+00, v12;
	s18 =	smov.u32 s19  }
0x1e8: {  	v9 =	vld [tilespmem:s17+$0xFFFFFFC0];
	v16 =	vmov s5;
	[tilespmem:v10+s28+$0x0] =	vst.idx.msk $0xffff, v13;
	v10 =	vadd.s32 v2, v5;
	v11 =	vmul.f32 $8.000000000e+00, v11  }
0x1e9: {  	v13 =	vadd.s32 v0, v4;
	v21 =	vand.u32 $0x7D, v24;
	v24 =	vld [tilespmem:s17+$0x0];
	v14 =	vmul.f32 $8.000000000e+00, v14;
	[tilespmem:v15+s28+$0x0] =	vst.idx.msk $0xffff, v12  }
0x1ea: {  	v12 =	vadd.s32 v0, v21;
	v26 =	vand.u32 $0x7E, v16;
	v15 =	vmul.f32 $8.000000000e+00, v19;
	v16 =	vld [tilespmem:s16+$0xFFFFFFE0];
	[tilespmem:v17+s28+$0x0] =	vst.idx.msk $0xffff, v11  }
0x1eb: {  	v11 =	vadd.s32 v0, v26;
	v17 =	vld [tilespmem:s16+$0x20];
	v18 =	vmul.f32 $8.000000000e+00, v18;
	[tilespmem:v20+s28+$0x0] =	vst.idx.msk $0xffff, v14  }
0x1ec: {  	v19 =	vadd.s32 v2, v6;
	v14 =	vmul.f32 $8.000000000e+00, v23;
	[tilespmem:v25+s28+$0x0] =	vst.idx.msk $0xffff, v15;
	v15 =	vld [tilespmem:s16+$0xFFFFFFA0]  }
0x1ed: {  	v23 =	vadd.s32 v2, v7;
	v9 =	vmul.f32 $8.000000000e+00, v9;
	v20 =	vld [tilespmem:s17+$0x50];
	[tilespmem:v10+s28+$0x0] =	vst.idx.msk $0xffff, v18  }
0x1ee: {  	[tilespmem:v13+s28+$0x0] =	vst.idx.msk $0xffff, v14;
	v10 =	vmul.f32 $8.000000000e+00, v24;
	v14 =	vadd.s32 v2, v8;
	v24 =	vld [tilespmem:s16+$0x70]  }
0x1ef: {  	v27 =	vadd.s32 v1, v22;
	v25 =	vld [tilespmem:s17+$0xFFFFFF90];
	[tilespmem:v12+s28+$0x0] =	vst.idx.msk $0xffff, v9;
	v9 =	vmul.f32 $8.000000000e+00, v16  }
0x1f0: {  	v29 =	vadd.s32 v3, v5;
	v5 =	vmov v22;
	v28 =	vld [tilespmem:s17+$0xFFFFFFD0];
	[tilespmem:v11+s28+$0x0] =	vst.idx.msk $0xffff, v10;
	v10 =	vmul.f32 $8.000000000e+00, v17  }
.Ltmp6:
0x1f1: {  	v18 =	vadd.s32 v1, v4;
	v13 =	vld [tilespmem:s17+$0x10];
	v11 =	vmul.f32 $8.000000000e+00, v15;
	[tilespmem:v19+s28+$0x0] =	vst.idx.msk $0xffff, v9;
	(pc) =	sbr.rel @p0 .LBB2_15-.Ltmp6, $4  }
0x1f2: {  	v16 =	vadd.s32 v1, v21;
	v15 =	vmul.f32 $8.000000000e+00, v20;
	v12 =	vld [tilespmem:s16+$0xFFFFFFF0];
	[tilespmem:v23+s28+$0x0] =	vst.idx.msk $0xffff, v10  }
0x1f3: {  	v9 =	vmov s19;
	v10 =	vadd.s32 v1, v26;
	[tilespmem:v14+s28+$0x0] =	vst.idx.msk $0xffff, v11;
	v11 =	vld [tilespmem:s16+$0x30];
	v23 =	vmul.f32 $8.000000000e+00, v24  }
0x1f4: {  	s5 =	sadd.s32 $0x3, s19;
	v9 =	vand.u32 $0x7C, v9;
	v20 =	vmul.f32 $8.000000000e+00, v25;
	[tilespmem:v27+s28+$0x0] =	vst.idx.msk $0xffff, v15;
	v14 =	vld [tilespmem:s16+$0xFFFFFFB0];
	v15 =	vadd.s32 v3, v6;
	v6 =	vmovc v21;
	s16 =	smov.u32 s17;
	s17 =	sadd.s32 $0x100, s17  }
0x1f5: {  	v22 =	vmov s5;
	v17 =	vadd.s32 v3, v7;
	v7 =	vmovc v26;
	s19 =	sadd.s32 $0x4, s19;
	v19 =	vld [tilespmem:s17+$0x40];
	v21 =	vmul.f32 $8.000000000e+00, v28;
	[tilespmem:v29+s28+$0x0] =	vst.idx.msk $0xffff, v23  }
0x1f6: {  	s5 =	sadd.s32 $0x1, s18;
	v22 =	vand.u32 $0x7F, v22;
	v28 =	vld [tilespmem:s17+$0xFFFFFF80]  }
0x1f7: {  	s18 =	sadd.s32 $0x2, s18;
	v24 =	vld [tilespmem:s17+$0xFFFFFFC0];
	v23 =	vmov s5;
	v25 =	vadd.s32 v0, v22  }
0x1f8: {  	v27 =	vld [tilespmem:s17+$0x0];
	v51 =	vadd.s32 v0, v9;
	v26 =	vmov s18;
	v23 =	vand.u32 $0x7D, v23  }
0x1f9: {  	v26 =	vand.u32 $0x7E, v26;
	v29 =	vadd.s32 v0, v23  }
0x1fa: {  	[tilespmem:v18+s28+$0x0] =	vst.idx.msk $0xffff, v20;
	v30 =	vadd.s32 v0, v26;
	v19 =	vmul.f32 $8.000000000e+00, v19  }
0x1fb: {  	[tilespmem:v16+s28+$0x0] =	vst.idx.msk $0xffff, v21;
	v54 =	vmul.f32 $8.000000000e+00, v28  }
0x1fc: {  	v52 =	vmul.f32 $8.000000000e+00, v24;
	[tilespmem:v25+s28+$0x0] =	vst.idx.msk $0xffff, v19  }
0x1fd: {  	v53 =	vmul.f32 $8.000000000e+00, v27;
	v55 =	vld [tilespmem:s17+$0x50];
	[tilespmem:v51+s28+$0x0] =	vst.idx.msk $0xffff, v54  }
0x1fe: {  	v13 =	vmul.f32 $8.000000000e+00, v13;
	v8 =	vadd.s32 v3, v8;
	[tilespmem:v29+s28+$0x0] =	vst.idx.msk $0xffff, v52;
	v59 =	vld [tilespmem:s17+$0xFFFFFF90]  }
0x1ff: {  	v12 =	vmul.f32 $8.000000000e+00, v12;
	v57 =	vadd.s32 v1, v22;
	[tilespmem:v30+s28+$0x0] =	vst.idx.msk $0xffff, v53;
	v56 =	vld [tilespmem:s17+$0xFFFFFFD0]  }
0x200: {  	[tilespmem:v10+s28+$0x0] =	vst.idx.msk $0xffff, v13;
	v58 =	vmul.f32 $8.000000000e+00, v11;
	v28 =	vadd.s32 v1, v9;
	v19 =	vld [tilespmem:s17+$0x10]  }
0x201: {  	v61 =	vld [tilespmem:s16+$0x60];
	v60 =	vadd.s32 v1, v23;
	v14 =	vmul.f32 $8.000000000e+00, v14;
	[tilespmem:v15+s28+$0x0] =	vst.idx.msk $0xffff, v12  }
0x202: {  	v32 =	vld [tilespmem:s16+$0xFFFFFFA0];
	v62 =	vadd.s32 v1, v26;
	[tilespmem:v17+s28+$0x0] =	vst.idx.msk $0xffff, v58;
	v16 =	vmul.f32 $8.000000000e+00, v55  }
0x203: {  	[tilespmem:v8+s28+$0x0] =	vst.idx.msk $0xffff, v14;
	v29 =	vadd.s32 v2, v5;
	v30 =	vld [tilespmem:s16+$0x20];
	v11 =	vmul.f32 $8.000000000e+00, v59  }
0x204: {  	v38 =	vadd.s32 v2, v4;
	v63 =	vld [tilespmem:s16+$0xFFFFFFE0];
	v31 =	vmul.f32 $8.000000000e+00, v56;
	[tilespmem:v57+s28+$0x0] =	vst.idx.msk $0xffff, v16  }
0x205: {  	v35 =	vadd.s32 v2, v7;
	v34 =	vmul.f32 $8.000000000e+00, v19;
	v36 =	vld [tilespmem:s17+$0x60];
	[tilespmem:v28+s28+$0x0] =	vst.idx.msk $0xffff, v11  }
0x206: {  	v33 =	vadd.s32 v2, v6;
	v37 =	vmul.f32 $8.000000000e+00, v61;
	[tilespmem:v60+s28+$0x0] =	vst.idx.msk $0xffff, v31;
	v43 =	vld [tilespmem:s17+$0xFFFFFFA0]  }
0x207: {  	v40 =	vadd.s32 v2, v22;
	v14 =	vmul.f32 $8.000000000e+00, v32;
	[tilespmem:v62+s28+$0x0] =	vst.idx.msk $0xffff, v34;
	v39 =	vld [tilespmem:s17+$0xFFFFFFE0]  }
0x208: {  	v48 =	vadd.s32 v2, v9;
	[tilespmem:v29+s28+$0x0] =	vst.idx.msk $0xffff, v37;
	v42 =	vmul.f32 $8.000000000e+00, v30;
	v41 =	vld [tilespmem:s17+$0x20]  }
0x209: {  	v44 =	vadd.s32 v2, v23;
	v15 =	vmul.f32 $8.000000000e+00, v63;
	[tilespmem:v38+s28+$0x0] =	vst.idx.msk $0xffff, v14;
	v45 =	vld [tilespmem:s16+$0x70]  }
0x20a: {  	v46 =	vadd.s32 v2, v26;
	v14 =	vld [tilespmem:s16+$0xFFFFFFB0];
	[tilespmem:v35+s28+$0x0] =	vst.idx.msk $0xffff, v42;
	v47 =	vmul.f32 $8.000000000e+00, v36  }
0x20b: {  	v5 =	vadd.s32 v3, v5;
	[tilespmem:v33+s28+$0x0] =	vst.idx.msk $0xffff, v15;
	v49 =	vld [tilespmem:s16+$0x30];
	v53 =	vmul.f32 $8.000000000e+00, v43  }
0x20c: {  	v4 =	vadd.s32 v3, v4;
	v21 =	vld [tilespmem:s16+$0xFFFFFFF0];
	v12 =	vmul.f32 $8.000000000e+00, v39;
	[tilespmem:v40+s28+$0x0] =	vst.idx.msk $0xffff, v47  }
0x20d: {  	v52 =	vadd.s32 v3, v7;
	v51 =	vmul.f32 $8.000000000e+00, v41;
	v10 =	vld [tilespmem:s17+$0x70];
	[tilespmem:v48+s28+$0x0] =	vst.idx.msk $0xffff, v53  }
0x20e: {  	v50 =	vadd.s32 v3, v6;
	v54 =	vmul.f32 $8.000000000e+00, v45;
	[tilespmem:v44+s28+$0x0] =	vst.idx.msk $0xffff, v12;
	v59 =	vld [tilespmem:s17+$0xFFFFFFB0]  }
0x20f: {  	v57 =	vadd.s32 v3, v22;
	v14 =	vmul.f32 $8.000000000e+00, v14;
	[tilespmem:v46+s28+$0x0] =	vst.idx.msk $0xffff, v51;
	v55 =	vld [tilespmem:s17+$0xFFFFFFF0]  }
0x210: {  	v62 =	vadd.s32 v3, v9;
	[tilespmem:v5+s28+$0x0] =	vst.idx.msk $0xffff, v54;
	v5 =	vmul.f32 $8.000000000e+00, v49;
	v58 =	vld [tilespmem:s17+$0x30]  }
0x211: {  	v56 =	vmul.f32 $8.000000000e+00, v21;
	v60 =	vadd.s32 v3, v23;
	[tilespmem:v4+s28+$0x0] =	vst.idx.msk $0xffff, v14  }
0x212: {  	v61 =	vadd.s32 v3, v26;
	[tilespmem:v52+s28+$0x0] =	vst.idx.msk $0xffff, v5;
	v5 =	vmul.f32 $8.000000000e+00, v10  }
0x213: {  	[tilespmem:v50+s28+$0x0] =	vst.idx.msk $0xffff, v56;
	v63 =	vmul.f32 $8.000000000e+00, v59  }
0x214: {  	v4 =	vmul.f32 $8.000000000e+00, v55;
	[tilespmem:v57+s28+$0x0] =	vst.idx.msk $0xffff, v5  }
0x215: {  	v5 =	vmul.f32 $8.000000000e+00, v58;
	[tilespmem:v62+s28+$0x0] =	vst.idx.msk $0xffff, v63  }
0x216: {  	[tilespmem:v60+s28+$0x0] =	vst.idx.msk $0xffff, v4  }
0x217: {  	s10 =	simm.s32 @!p1 $0x80;
	s5 =	sadd.s32 @!p1 $0x380, s14;
	s14 =	simm.s32 @!p1 $0xC400;
	[tilespmem:v61+s28+$0x0] =	vst.idx.msk $0xffff, v5  }
0x218: {  	[tilespmem:s14], [sflag:$0x4] =	stream.indirect.gather @!p1 [hbm4b:s4+s10], $0x40, s5, s10, $0xb8;
	[tilespmem:$0x16C00] =	vst v63  }
0x219: {  	s19 =	simm.s32 $0x14A00;
	s10 =	sadd.s32 s15, s9  }
0x21a: {  	[hbm4b:s10+s3] =	stream.linear.scatter [tilespmem:s19], [sflag:$0x8], $0x80, $0x38;
	[tilespmem:$0x16C00] =	vst v63  }
0x21b: {  	s14 =	simm.s32 $0x14A88;
	s15 =	sadd.s32 $0x10, s10  }
0x21c: {  	[hbm4b:s15+s3] =	stream.linear.scatter [tilespmem:s14], [sflag:$0x8], $0x80, $0x38;
	[tilespmem:$0x16C00] =	vst v63  }
0x21d: {  	s18 =	simm.s32 $0x14B98;
	s16 =	simm.s32 $0x14B10;
	s17 =	sadd.s32 $0x20, s10  }
0x21e: {  	[hbm4b:s17+s3] =	stream.linear.scatter [tilespmem:s16], [sflag:$0x8], $0x80, $0x38;
	[tilespmem:$0x16C00] =	vst v63  }
0x21f: {  	s5 =	sadd.s32 $0x70, s10;
	s19 =	sadd.s32 $0x30, s10;
	s14 =	simm.s32 $0x14C20  }
0x220: {  	[hbm4b:s19+s3] =	stream.linear.scatter [tilespmem:s18], [sflag:$0x8], $0x80, $0x38;
	[tilespmem:$0x16C00] =	vst v63  }
0x221: {  	s15 =	sadd.s32 $0x40, s10;
	s16 =	simm.s32 $0x14CA8;
	s17 =	sadd.s32 $0x50, s10  }
0x222: {  	[hbm4b:s15+s3] =	stream.linear.scatter [tilespmem:s14], [sflag:$0x8], $0x80, $0x38;
	[tilespmem:$0x16C00] =	vst v63  }
0x223: {  	s18 =	simm.s32 $0x14D30;
	s19 =	sadd.s32 $0x60, s10;
	s14 =	simm.s32 $0x440  }
0x224: {  	[hbm4b:s17+s3] =	stream.linear.scatter [tilespmem:s16], [sflag:$0x8], $0x80, $0x38;
	[tilespmem:$0x16C00] =	vst v63  }
0x225: {  	s15 =	sadd.s32 $0x1000, s10;
	s16 =	simm.s32 $0x2200;
	s17 =	simm.s32 $0x14DB8  }
0x226: {  	[hbm4b:s19+s3] =	stream.linear.scatter [tilespmem:s18], [sflag:$0x8], $0x80, $0x38;
	[tilespmem:$0x16C00] =	vst v63  }
.LBB2_17:
0x227: {  	[hbm4b:s5+s3] =	stream.linear.scatter [tilespmem:s17], [sflag:$0x8], $0x80, $0x38;
	[tilespmem:$0x16C00] =	vst v63  }
0x228: {  	s5 =	smov.u32 s14;
	s10 =	smov.u32 s16  }
0x229: {  	s14 =	sshra.s32 s10, $0x2;
	s10 =	sadd.s32 $0x1100, s16;
	s17 =	sadd.s32 $0x14A00, s5  }
0x22a: {  	[hbm4b:s15+s3] =	stream.linear.scatter [tilespmem:s17], [sflag:$0x8], $0x80, $0x38;
	[tilespmem:$0x16C00] =	vst v63  }
0x22b: {  	p0 =	sne.s32 s16, $0x7700;
	s16 =	sadd.s32 $0x14A88, s5;
	s17 =	sadd.s32 $0x10, s15  }
0x22c: {  	[hbm4b:s17+s3] =	stream.linear.scatter [tilespmem:s16], [sflag:$0x8], $0x80, $0x38;
	[tilespmem:$0x16C00] =	vst v63  }
0x22d: {  	s16 =	sadd.s32 $0x14B10, s5;
	s17 =	sadd.s32 $0x20, s15  }
0x22e: {  	[hbm4b:s17+s3] =	stream.linear.scatter [tilespmem:s16], [sflag:$0x8], $0x80, $0x38;
	[tilespmem:$0x16C00] =	vst v63  }
0x22f: {  	s16 =	sadd.s32 $0x14B98, s5;
	s17 =	sadd.s32 $0x30, s15  }
0x230: {  	[hbm4b:s17+s3] =	stream.linear.scatter [tilespmem:s16], [sflag:$0x8], $0x80, $0x38;
	[tilespmem:$0x16C00] =	vst v63  }
0x231: {  	s16 =	sadd.s32 $0x14C20, s5;
	s17 =	sadd.s32 $0x40, s15  }
0x232: {  	[hbm4b:s17+s3] =	stream.linear.scatter [tilespmem:s16], [sflag:$0x8], $0x80, $0x38;
	[tilespmem:$0x16C00] =	vst v63  }
0x233: {  	s16 =	sadd.s32 $0x14CA8, s5;
	s17 =	sadd.s32 $0x50, s15  }
0x234: {  	[hbm4b:s17+s3] =	stream.linear.scatter [tilespmem:s16], [sflag:$0x8], $0x80, $0x38;
	[tilespmem:$0x16C00] =	vst v63  }
.Ltmp7:
0x235: {  	_ = 	snop;
	(pc) =	sbr.rel @p0 .LBB2_17-.Ltmp7, $4  }
0x236: {  	s16 =	sadd.s32 $0x14D30, s5;
	s17 =	sadd.s32 $0x60, s15  }
0x237: {  	[hbm4b:s17+s3] =	stream.linear.scatter [tilespmem:s16], [sflag:$0x8], $0x80, $0x38;
	[tilespmem:$0x16C00] =	vst v63  }
0x238: {  	s17 =	sadd.s32 $0x14DB8, s5  }
0x239: {  	s5 =	sadd.s32 $0x70, s15;
	s15 =	sadd.s32 $0x1000, s15;
	s16 =	smov.u32 s10  }
0x23a: {  	[hbm4b:s5+s3] =	stream.linear.scatter [tilespmem:s17], [sflag:$0x8], $0x80, $0x38;
	[tilespmem:$0x16C00] =	vst v63  }
0x23b: {  	s18 =	sadd.s32 $0x14A00, s14  }
0x23c: {  	[hbm4b:s15+s3] =	stream.linear.scatter [tilespmem:s18], [sflag:$0x8], $0x80, $0x38;
	[tilespmem:$0x16C00] =	vst v63  }
0x23d: {  	s19 =	sadd.s32 $0x14A88, s14;
	s10 =	sadd.s32 $0x10, s15  }
0x23e: {  	[hbm4b:s10+s3] =	stream.linear.scatter [tilespmem:s19], [sflag:$0x8], $0x80, $0x38;
	[tilespmem:$0x16C00] =	vst v63  }
0x23f: {  	s16 =	sadd.s32 $0x14B10, s14;
	s17 =	sadd.s32 $0x20, s15  }
0x240: {  	[hbm4b:s17+s3] =	stream.linear.scatter [tilespmem:s16], [sflag:$0x8], $0x80, $0x38;
	[tilespmem:$0x16C00] =	vst v63  }
0x241: {  	s18 =	sadd.s32 $0x14B98, s14;
	s19 =	sadd.s32 $0x30, s15  }
0x242: {  	[hbm4b:s19+s3] =	stream.linear.scatter [tilespmem:s18], [sflag:$0x8], $0x80, $0x38;
	[tilespmem:$0x16C00] =	vst v63  }
0x243: {  	s12 =	sadd.s32 $0x1, s12;
	s16 =	sadd.s32 $0x14C20, s14;
	s17 =	sadd.s32 $0x40, s15  }
0x244: {  	[hbm4b:s17+s3] =	stream.linear.scatter [tilespmem:s16], [sflag:$0x8], $0x80, $0x38;
	[tilespmem:$0x16C00] =	vst v63  }
0x245: {  	p0 =	sne.s32 s12, $0x32;
	s18 =	sadd.s32 $0x14CA8, s14;
	s19 =	sadd.s32 $0x50, s15  }
0x246: {  	[hbm4b:s19+s3] =	stream.linear.scatter [tilespmem:s18], [sflag:$0x8], $0x80, $0x38;
	[tilespmem:$0x16C00] =	vst v63  }
.Ltmp8:
0x247: {  	_ = 	snop;
	(pc) =	sbr.rel @p0 .LBB2_2-.Ltmp8, $4  }
0x248: {  	s16 =	sadd.s32 $0x14D30, s14;
	s17 =	sadd.s32 $0x60, s15  }
0x249: {  	[hbm4b:s17+s3] =	stream.linear.scatter [tilespmem:s16], [sflag:$0x8], $0x80, $0x38;
	[tilespmem:$0x16C00] =	vst v63  }
0x24a: {  	s18 =	sadd.s32 $0x14DB8, s14;
	s19 =	sadd.s32 $0x70, s15  }
0x24b: {  	[hbm4b:s19+s3] =	stream.linear.scatter [tilespmem:s18], [sflag:$0x8], $0x80, $0x38;
	[tilespmem:$0x16C00] =	vst v63  }
0x24c: {  	_ =	swait.ge [sflag:s29], $0x2000  }
0x24d: {  	[sflag:s29] =	ssyncset.done $0x0  }
0x24e: {  	[sflag:s29] =	ssyncadd.s32 $0xFFFFE000  }
0x24f: {  	_ =	swait.ge [sflag:s30], $0x2000  }
0x250: {  	[sflag:s30] =	ssyncset.done $0x0  }
0x251: {  	[sflag:s30] =	ssyncadd.s32 $0xFFFFE000  }
0x252: {  	_ =	swait.ge [sflag:s31], $0x2000  }
0x253: {  	[sflag:s31] =	ssyncset.done $0x0  }
0x254: {  	[sflag:s31] =	ssyncadd.s32 $0xFFFFE000  }
0x255: {  	_ =	swait.ge [sflag:s1], $0x2000  }
0x256: {  	s0 =	sadd.s32 $0x1, s0;
	s5 =	rddreg [dreg:$0x4]  }
0x257: {  	p0 =	sne.s32 s0, s5  }
.Ltmp9:
0x258: {  	_ = 	snop;
	(pc) =	sbr.rel @p0 .LBB2_1-.Ltmp9, $3  }
0x259: {  	_ =	sdelay $0x1  }
0x25a: {  	[sflag:s1] =	ssyncset.done $0x0  }
0x25b: {  	[sflag:s1] =	ssyncadd.s32 $0xFFFFE000  }
0x25c: {  	_ =	sfence.sel $0x180000  }
0x25d: {  	[bflag:$0x0] =	sbarrier.arrive $0xFFFF  }
0x25e: {  	_ =	strace $0x90000047  }
0x25f: {  	s0 =	stileid.u32;
	[bflag:$0x2] =	sbarrier.arrive $0xFFFF  }
0x260: {  	p0 =	sne.s32 s0, $0x0;
	s0 =	rddreg [dreg:$0x2]  }
0x261: {  	s0 =	sadd.s32 @!p0 $0x100000, s0  }
0x262: {  	[sflag:s0] =	ssyncadd.tile.s32 @!p0 $0x1;
	_ =	shalt  }
.Lfunc_end2:
_tile_overlayer_lowered:
.L_overlay_start_2:
0x263: {  	(tag) =	ssettag $0x2  }
0x264: {  	s0 =	rddreg [dreg:$0x0];
	s2 =	stileid.u32  }
0x265: {  	s1 =	rddreg [dreg:$0x1];
	p0 =	sne.s32 s2, $0x0  }
0x266: {  	s3 =	rddreg [dreg:$0x2];
	[bflag:$0x3] =	sbarrier.arrive $0xFFFF;
	s2 =	simm.s32 @!p0 $0x1C09  }
0x267: {  	[timem:s3], [sflag:s2] =	dma.local @!p0 [hbm:s0], s1  }
0x268: {  	s0 =	simm.s32 @!p0 $0x9  }
0x269: {  	_ =	swait.ge @!p0 [sflag:s0], s1  }
0x26a: {  	s1 =	ssub.s32 @!p0 $0x0, s1;
	[sflag:s0] =	ssyncset.done @!p0 $0x0  }
0x26b: {  	[sflag:s0] =	ssyncadd.s32 @!p0 s1  }
0x26c: {  	[bflag:$0x3] =	sbarrier.arrive $0xFFFF  }
0x26d: {  	_ =	shalt  }

</sc_bundles>
